<compile_context>
chip_gen: v7x
topology: tpu7x:2x2x1
jax: 0.10.2.dev20260603
libtpu: 0.0.44.dev20260713+nightly
codegen_flags: <defaults>
</compile_context>

<pallas_src>
import functools
import math

import jax
import jax.numpy as jnp
from jax import lax
from jax.experimental import pallas as pl
from jax.experimental.pallas import tpu as pltpu
from jax.experimental.pallas import tpu_sc as plsc

_CHUNKS = (64, 64, 64, 64, 64, 64, 64, 64)


def _make_gather(B, S, V, D, scale):
    info = plsc.get_sparse_core_info()
    NC, NS, L = info.num_cores, info.num_subcores, info.num_lanes
    NW = NC * NS
    N = B * S
    assert N % (8 * NW) == 0 and D % L == 0
    b_per_w = N // NW
    assert S % b_per_w == 0
    sizes = list(_CHUNKS)
    offs = [sum(sizes[:i]) for i in range(len(sizes))]
    nchunk = len(sizes)
    assert sum(sizes) == b_per_w and all(s % 8 == 0 for s in sizes)

    mesh = plsc.VectorSubcoreMesh(core_axis_name="c", subcore_axis_name="s")

    @functools.partial(
        pl.kernel,
        mesh=mesh,
        out_type=jax.ShapeDtypeStruct((N, D), jnp.float32),
        scratch_types=[
            pltpu.VMEM((b_per_w,), jnp.int32),
            pltpu.VMEM((b_per_w, D), jnp.float32),
        ]
        + [pltpu.SemaphoreType.DMA] * (nchunk + 1),
    )
    def emb_gather(idx_hbm, table_hbm, out_hbm, idx_v, rows_v, *sems):
        gsems, wsem = sems[:nchunk], sems[nchunk]
        wid = lax.axis_index("s") * NC + lax.axis_index("c")
        base = wid * b_per_w
        row = base // S
        col = base % S
        pltpu.sync_copy(idx_hbm.at[row, pl.ds(col, b_per_w)], idx_v)
        gathers = [
            pltpu.async_copy(
                table_hbm.at[idx_v.at[pl.ds(offs[c], sizes[c])]],
                rows_v.at[pl.ds(offs[c], sizes[c])],
                gsems[c],
            )
            for c in range(nchunk)
        ]
        writes = []
        for c in range(nchunk):
            gathers[c].wait()

            def body(i, carry, _c=c):
                for j in range(D // L):
                    sl = (offs[_c] + i, pl.ds(j * L, L))
                    rows_v[sl] = rows_v[sl] * scale
                return carry

            lax.fori_loop(0, sizes[c], body, 0)
            writes.append(
                pltpu.async_copy(
                    rows_v.at[pl.ds(offs[c], sizes[c])],
                    out_hbm.at[pl.ds(base + offs[c], sizes[c])],
                    wsem,
                )
            )
        for w in writes:
            w.wait()

    return emb_gather


def kernel(token_ids, emb_table):
    B, S = token_ids.shape
    V, D = emb_table.shape
    scale = math.sqrt(float(D))
    if token_ids.dtype != jnp.int32:
        token_ids = token_ids.astype(jnp.int32)
    out = _make_gather(B, S, V, D, scale)(token_ids, emb_table)
    return out.reshape(B, S, D)

# --- scband reference (transcript-rebuilt; emitter-appended) ---
"""Pipeline reference for scband-token-embedding-32444182954788 (READ-ONLY COPY).

The authoritative reference and input builder live on the scoring server;
editing this copy changes nothing except your own understanding.
"""

import jax, jax.numpy as jnp
import numpy as np
import math

VOCAB = 100000
D_EMBED = 128
D_MODEL = 128
B, S = 4, 4096

def setup_inputs(seed: int = 0) -> dict:
    key = jax.random.key(seed)
    k1, k2 = jax.random.split(key)
    token_ids = jax.random.randint(k1, (B, S), 0, VOCAB, dtype=jnp.int64) if jax.config.jax_enable_x64 else jax.random.randint(k1, (B, S), 0, VOCAB, dtype=jnp.int32)
    emb_table = jax.random.normal(k2, (VOCAB, D_EMBED), dtype=jnp.float32)
    return {"token_ids": token_ids, "emb_table": emb_table}

def reference(token_ids, emb_table):
    # nn.Embedding lookup -> gather rows
    embeddings = jnp.take(emb_table, token_ids, axis=0)  # [B, S, D_EMBED]
    # d_embed == d_model, so no projection
    scale_factor = math.sqrt(D_MODEL)
    embeddings = embeddings * scale_factor
    return embeddings

if __name__ == "__main__":
    import jax
    _d = setup_inputs()
    print(jax.jit(kernel)(*tuple(_d.values())))

</pallas_src>

<mosaic_0001>
#map = affine_map<(d0, d1) -> (0, 0)>
module attributes {stable_mosaic.version = 14 : i64} {
  func.func @emb_gather(%arg0: i32, %arg1: i32, %arg2: memref<4x4096xi32, #tpu.memory_space<hbm>>, %arg3: memref<100000x128xf32, #tpu.memory_space<hbm>>, %arg4: memref<16384x128xf32, #tpu.memory_space<hbm>>, %arg5: memref<512xi32, #tpu.memory_space<vmem>>, %arg6: memref<512x128xf32, #tpu.memory_space<vmem>>, %arg7: memref<!tpu.dma_semaphore, #tpu.memory_space<semaphore_mem>>, %arg8: memref<!tpu.dma_semaphore, #tpu.memory_space<semaphore_mem>>, %arg9: memref<!tpu.dma_semaphore, #tpu.memory_space<semaphore_mem>>, %arg10: memref<!tpu.dma_semaphore, #tpu.memory_space<semaphore_mem>>, %arg11: memref<!tpu.dma_semaphore, #tpu.memory_space<semaphore_mem>>, %arg12: memref<!tpu.dma_semaphore, #tpu.memory_space<semaphore_mem>>, %arg13: memref<!tpu.dma_semaphore, #tpu.memory_space<semaphore_mem>>, %arg14: memref<!tpu.dma_semaphore, #tpu.memory_space<semaphore_mem>>, %arg15: memref<!tpu.dma_semaphore, #tpu.memory_space<semaphore_mem>>) attributes {dimension_semantics = [#tpu.dimension_semantics<core_parallel>, #tpu.dimension_semantics<subcore_parallel>], iteration_bounds = array<i64: 2, 16>, scalar_prefetch = 0 : i64, scratch_operands = 11 : i64, tpu.core_type = #tpu.core_type<sc_vector_subcore>, window_params = [{transform_indices = #map}, {transform_indices = #map}, {transform_indices = #map}]} {
    %mul3A = arith.constant 2 : i32
    %mul3A_0 = arith.muli %arg1, %mul3A : i32
    %add3A = arith.addi %mul3A_0, %arg0 : i32
    %mul3A_1 = arith.constant 512 : i32
    %mul3A_2 = arith.muli %add3A, %mul3A_1 : i32
    %jit3A = arith.constant 4096 : i32
    %div3A = arith.divsi %mul3A_2, %jit3A : i32
    %sign3A = arith.constant 0 : i32
    %sign3A_3 = arith.cmpi sgt, %mul3A_2, %sign3A : i32
    %sign3A_4 = arith.extui %sign3A_3 : i1 to i32
    %sign3A_5 = arith.constant 0 : i32
    %sign3A_6 = arith.cmpi slt, %mul3A_2, %sign3A_5 : i32
    %sign3A_7 = arith.extui %sign3A_6 : i1 to i32
    %sign3A_8 = arith.subi %sign3A_4, %sign3A_7 : i32
    %sign3A_9 = arith.constant 0 : i32
    %sign3A_10 = arith.cmpi sgt, %jit3A, %sign3A_9 : i32
    %sign3A_11 = arith.extui %sign3A_10 : i1 to i32
    %sign3A_12 = arith.constant 0 : i32
    %sign3A_13 = arith.cmpi slt, %jit3A, %sign3A_12 : i32
    %sign3A_14 = arith.extui %sign3A_13 : i1 to i32
    %sign3A_15 = arith.subi %sign3A_11, %sign3A_14 : i32
    %ne3A = arith.cmpi ne, %sign3A_8, %sign3A_15 : i32
    %rem3A = arith.remsi %mul3A_2, %jit3A : i32
    %ne3A_16 = arith.constant 0 : i32
    %ne3A_17 = arith.cmpi ne, %rem3A, %ne3A_16 : i32
    %and3A = arith.andi %ne3A, %ne3A_17 : i1
    %sub3A = arith.constant 1 : i32
    %sub3A_18 = arith.subi %div3A, %sub3A : i32
    %select_n3A = arith.select %and3A, %sub3A_18, %div3A : i32
    %jit3A_19 = arith.constant 4096 : i32
    %eq3A = arith.constant 0 : i32
    %eq3A_20 = arith.cmpi eq, %jit3A_19, %eq3A : i32
    %jit3A_21 = arith.constant 1 : i32
    %select_n3A_22 = arith.select %eq3A_20, %jit3A_21, %jit3A_19 : i32
    %rem3A_23 = arith.remsi %mul3A_2, %select_n3A_22 : i32
    %ne3A_24 = arith.constant 0 : i32
    %ne3A_25 = arith.cmpi ne, %rem3A_23, %ne3A_24 : i32
    %lt3A = arith.constant 0 : i32
    %lt3A_26 = arith.cmpi slt, %rem3A_23, %lt3A : i32
    %lt3A_27 = arith.constant 0 : i32
    %lt3A_28 = arith.cmpi slt, %select_n3A_22, %lt3A_27 : i32
    %ne3A_29 = arith.xori %lt3A_26, %lt3A_28 : i1
    %and3A_30 = arith.andi %ne3A_29, %ne3A_25 : i1
    %add3A_31 = arith.addi %rem3A_23, %select_n3A_22 : i32
    %select_n3A_32 = arith.select %and3A_30, %add3A_31, %rem3A_23 : i32
    "tpu.region"() ({
      %run_scoped3A = tpu.sem_alloc : memref<!tpu.dma_semaphore, #tpu.memory_space<semaphore_mem>>
      %dma_start3A_382 = tpu.memref_slice %arg2[%select_n3A, %select_n3A_32] : memref<4x4096xi32, #tpu.memory_space<hbm>> -> memref<1x512xi32, #tpu.memory_space<hbm>>
      %dma_start3A_383 = tpu.memref_squeeze %dma_start3A_382 : memref<1x512xi32, #tpu.memory_space<hbm>> -> memref<512xi32, #tpu.memory_space<hbm>>
      %dma_start3A_384 = tpu.memref_slice %arg2[%select_n3A, %select_n3A_32] : memref<4x4096xi32, #tpu.memory_space<hbm>> -> memref<1x512xi32, #tpu.memory_space<hbm>>
      %dma_start3A_385 = tpu.memref_squeeze %dma_start3A_384 : memref<1x512xi32, #tpu.memory_space<hbm>> -> memref<512xi32, #tpu.memory_space<hbm>>
      tpu.enqueue_dma source(%dma_start3A_385 : memref<512xi32, #tpu.memory_space<hbm>>) target(%arg5 : memref<512xi32, #tpu.memory_space<vmem>>) target_semaphore(%run_scoped3A : memref<!tpu.dma_semaphore, #tpu.memory_space<semaphore_mem>>)
      %dma_wait3A_386 = tpu.memref_slice %arg2[%select_n3A, %select_n3A_32] : memref<4x4096xi32, #tpu.memory_space<hbm>> -> memref<1x512xi32, #tpu.memory_space<hbm>>
      %dma_wait3A_387 = tpu.memref_squeeze %dma_wait3A_386 : memref<1x512xi32, #tpu.memory_space<hbm>> -> memref<512xi32, #tpu.memory_space<hbm>>
      %dma_wait3A_388 = tpu.memref_slice %arg2[%select_n3A, %select_n3A_32] : memref<4x4096xi32, #tpu.memory_space<hbm>> -> memref<1x512xi32, #tpu.memory_space<hbm>>
      %dma_wait3A_389 = tpu.memref_squeeze %dma_wait3A_388 : memref<1x512xi32, #tpu.memory_space<hbm>> -> memref<512xi32, #tpu.memory_space<hbm>>
      tpu.wait_dma2 semaphore(%run_scoped3A : memref<!tpu.dma_semaphore, #tpu.memory_space<semaphore_mem>>) src(%dma_wait3A_389 : memref<512xi32, #tpu.memory_space<hbm>>) dst(%arg5 : memref<512xi32, #tpu.memory_space<vmem>>)
      tpu.yield
    }) : () -> ()
    %dma_start3A = arith.constant 0 : i32
    %dma_start3A_33 = arith.constant 0 : i32
    %dma_start3A_34 = tpu.memref_slice %arg6[%dma_start3A, %dma_start3A_33] : memref<512x128xf32, #tpu.memory_space<vmem>> -> memref<64x128xf32, #tpu.memory_space<vmem>>
    %dma_start3A_35 = arith.constant 0 : i32
    %dma_start3A_36 = tpu.memref_slice %arg5[%dma_start3A_35] : memref<512xi32, #tpu.memory_space<vmem>> -> memref<64xi32, #tpu.memory_space<vmem>>
    %dma_start3A_37 = arith.constant 0 : i32
    %dma_start3A_38 = arith.constant 0 : i32
    %dma_start3A_39 = tpu.memref_slice %arg3[%dma_start3A_37, %dma_start3A_38] : memref<100000x128xf32, #tpu.memory_space<hbm>> -> memref<100000x128xf32, #tpu.memory_space<hbm>>
    tpu.enqueue_indirect_dma source(%dma_start3A_39 : memref<100000x128xf32, #tpu.memory_space<hbm>>) target(%dma_start3A_34 : memref<64x128xf32, #tpu.memory_space<vmem>>) offsets(%dma_start3A_36 : memref<64xi32, #tpu.memory_space<vmem>>) semaphore(%arg7 : memref<!tpu.dma_semaphore, #tpu.memory_space<semaphore_mem>>)
    %dma_start3A_40 = arith.constant 64 : i32
    %dma_start3A_41 = arith.constant 0 : i32
    %dma_start3A_42 = tpu.memref_slice %arg6[%dma_start3A_40, %dma_start3A_41] : memref<512x128xf32, #tpu.memory_space<vmem>> -> memref<64x128xf32, #tpu.memory_space<vmem>>
    %dma_start3A_43 = arith.constant 64 : i32
    %dma_start3A_44 = tpu.memref_slice %arg5[%dma_start3A_43] : memref<512xi32, #tpu.memory_space<vmem>> -> memref<64xi32, #tpu.memory_space<vmem>>
    %dma_start3A_45 = arith.constant 0 : i32
    %dma_start3A_46 = arith.constant 0 : i32
    %dma_start3A_47 = tpu.memref_slice %arg3[%dma_start3A_45, %dma_start3A_46] : memref<100000x128xf32, #tpu.memory_space<hbm>> -> memref<100000x128xf32, #tpu.memory_space<hbm>>
    tpu.enqueue_indirect_dma source(%dma_start3A_47 : memref<100000x128xf32, #tpu.memory_space<hbm>>) target(%dma_start3A_42 : memref<64x128xf32, #tpu.memory_space<vmem>>) offsets(%dma_start3A_44 : memref<64xi32, #tpu.memory_space<vmem>>) semaphore(%arg8 : memref<!tpu.dma_semaphore, #tpu.memory_space<semaphore_mem>>)
    %dma_start3A_48 = arith.constant 128 : i32
    %dma_start3A_49 = arith.constant 0 : i32
    %dma_start3A_50 = tpu.memref_slice %arg6[%dma_start3A_48, %dma_start3A_49] : memref<512x128xf32, #tpu.memory_space<vmem>> -> memref<64x128xf32, #tpu.memory_space<vmem>>
    %dma_start3A_51 = arith.constant 128 : i32
    %dma_start3A_52 = tpu.memref_slice %arg5[%dma_start3A_51] : memref<512xi32, #tpu.memory_space<vmem>> -> memref<64xi32, #tpu.memory_space<vmem>>
    %dma_start3A_53 = arith.constant 0 : i32
    %dma_start3A_54 = arith.constant 0 : i32
    %dma_start3A_55 = tpu.memref_slice %arg3[%dma_start3A_53, %dma_start3A_54] : memref<100000x128xf32, #tpu.memory_space<hbm>> -> memref<100000x128xf32, #tpu.memory_space<hbm>>
    tpu.enqueue_indirect_dma source(%dma_start3A_55 : memref<100000x128xf32, #tpu.memory_space<hbm>>) target(%dma_start3A_50 : memref<64x128xf32, #tpu.memory_space<vmem>>) offsets(%dma_start3A_52 : memref<64xi32, #tpu.memory_space<vmem>>) semaphore(%arg9 : memref<!tpu.dma_semaphore, #tpu.memory_space<semaphore_mem>>)
    %dma_start3A_56 = arith.constant 192 : i32
    %dma_start3A_57 = arith.constant 0 : i32
    %dma_start3A_58 = tpu.memref_slice %arg6[%dma_start3A_56, %dma_start3A_57] : memref<512x128xf32, #tpu.memory_space<vmem>> -> memref<64x128xf32, #tpu.memory_space<vmem>>
    %dma_start3A_59 = arith.constant 192 : i32
    %dma_start3A_60 = tpu.memref_slice %arg5[%dma_start3A_59] : memref<512xi32, #tpu.memory_space<vmem>> -> memref<64xi32, #tpu.memory_space<vmem>>
    %dma_start3A_61 = arith.constant 0 : i32
    %dma_start3A_62 = arith.constant 0 : i32
    %dma_start3A_63 = tpu.memref_slice %arg3[%dma_start3A_61, %dma_start3A_62] : memref<100000x128xf32, #tpu.memory_space<hbm>> -> memref<100000x128xf32, #tpu.memory_space<hbm>>
    tpu.enqueue_indirect_dma source(%dma_start3A_63 : memref<100000x128xf32, #tpu.memory_space<hbm>>) target(%dma_start3A_58 : memref<64x128xf32, #tpu.memory_space<vmem>>) offsets(%dma_start3A_60 : memref<64xi32, #tpu.memory_space<vmem>>) semaphore(%arg10 : memref<!tpu.dma_semaphore, #tpu.memory_space<semaphore_mem>>)
    %dma_start3A_64 = arith.constant 256 : i32
    %dma_start3A_65 = arith.constant 0 : i32
    %dma_start3A_66 = tpu.memref_slice %arg6[%dma_start3A_64, %dma_start3A_65] : memref<512x128xf32, #tpu.memory_space<vmem>> -> memref<64x128xf32, #tpu.memory_space<vmem>>
    %dma_start3A_67 = arith.constant 256 : i32
    %dma_start3A_68 = tpu.memref_slice %arg5[%dma_start3A_67] : memref<512xi32, #tpu.memory_space<vmem>> -> memref<64xi32, #tpu.memory_space<vmem>>
    %dma_start3A_69 = arith.constant 0 : i32
    %dma_start3A_70 = arith.constant 0 : i32
    %dma_start3A_71 = tpu.memref_slice %arg3[%dma_start3A_69, %dma_start3A_70] : memref<100000x128xf32, #tpu.memory_space<hbm>> -> memref<100000x128xf32, #tpu.memory_space<hbm>>
    tpu.enqueue_indirect_dma source(%dma_start3A_71 : memref<100000x128xf32, #tpu.memory_space<hbm>>) target(%dma_start3A_66 : memref<64x128xf32, #tpu.memory_space<vmem>>) offsets(%dma_start3A_68 : memref<64xi32, #tpu.memory_space<vmem>>) semaphore(%arg11 : memref<!tpu.dma_semaphore, #tpu.memory_space<semaphore_mem>>)
    %dma_start3A_72 = arith.constant 320 : i32
    %dma_start3A_73 = arith.constant 0 : i32
    %dma_start3A_74 = tpu.memref_slice %arg6[%dma_start3A_72, %dma_start3A_73] : memref<512x128xf32, #tpu.memory_space<vmem>> -> memref<64x128xf32, #tpu.memory_space<vmem>>
    %dma_start3A_75 = arith.constant 320 : i32
    %dma_start3A_76 = tpu.memref_slice %arg5[%dma_start3A_75] : memref<512xi32, #tpu.memory_space<vmem>> -> memref<64xi32, #tpu.memory_space<vmem>>
    %dma_start3A_77 = arith.constant 0 : i32
    %dma_start3A_78 = arith.constant 0 : i32
    %dma_start3A_79 = tpu.memref_slice %arg3[%dma_start3A_77, %dma_start3A_78] : memref<100000x128xf32, #tpu.memory_space<hbm>> -> memref<100000x128xf32, #tpu.memory_space<hbm>>
    tpu.enqueue_indirect_dma source(%dma_start3A_79 : memref<100000x128xf32, #tpu.memory_space<hbm>>) target(%dma_start3A_74 : memref<64x128xf32, #tpu.memory_space<vmem>>) offsets(%dma_start3A_76 : memref<64xi32, #tpu.memory_space<vmem>>) semaphore(%arg12 : memref<!tpu.dma_semaphore, #tpu.memory_space<semaphore_mem>>)
    %dma_start3A_80 = arith.constant 384 : i32
    %dma_start3A_81 = arith.constant 0 : i32
    %dma_start3A_82 = tpu.memref_slice %arg6[%dma_start3A_80, %dma_start3A_81] : memref<512x128xf32, #tpu.memory_space<vmem>> -> memref<64x128xf32, #tpu.memory_space<vmem>>
    %dma_start3A_83 = arith.constant 384 : i32
    %dma_start3A_84 = tpu.memref_slice %arg5[%dma_start3A_83] : memref<512xi32, #tpu.memory_space<vmem>> -> memref<64xi32, #tpu.memory_space<vmem>>
    %dma_start3A_85 = arith.constant 0 : i32
    %dma_start3A_86 = arith.constant 0 : i32
    %dma_start3A_87 = tpu.memref_slice %arg3[%dma_start3A_85, %dma_start3A_86] : memref<100000x128xf32, #tpu.memory_space<hbm>> -> memref<100000x128xf32, #tpu.memory_space<hbm>>
    tpu.enqueue_indirect_dma source(%dma_start3A_87 : memref<100000x128xf32, #tpu.memory_space<hbm>>) target(%dma_start3A_82 : memref<64x128xf32, #tpu.memory_space<vmem>>) offsets(%dma_start3A_84 : memref<64xi32, #tpu.memory_space<vmem>>) semaphore(%arg13 : memref<!tpu.dma_semaphore, #tpu.memory_space<semaphore_mem>>)
    %dma_start3A_88 = arith.constant 448 : i32
    %dma_start3A_89 = arith.constant 0 : i32
    %dma_start3A_90 = tpu.memref_slice %arg6[%dma_start3A_88, %dma_start3A_89] : memref<512x128xf32, #tpu.memory_space<vmem>> -> memref<64x128xf32, #tpu.memory_space<vmem>>
    %dma_start3A_91 = arith.constant 448 : i32
    %dma_start3A_92 = tpu.memref_slice %arg5[%dma_start3A_91] : memref<512xi32, #tpu.memory_space<vmem>> -> memref<64xi32, #tpu.memory_space<vmem>>
    %dma_start3A_93 = arith.constant 0 : i32
    %dma_start3A_94 = arith.constant 0 : i32
    %dma_start3A_95 = tpu.memref_slice %arg3[%dma_start3A_93, %dma_start3A_94] : memref<100000x128xf32, #tpu.memory_space<hbm>> -> memref<100000x128xf32, #tpu.memory_space<hbm>>
    tpu.enqueue_indirect_dma source(%dma_start3A_95 : memref<100000x128xf32, #tpu.memory_space<hbm>>) target(%dma_start3A_90 : memref<64x128xf32, #tpu.memory_space<vmem>>) offsets(%dma_start3A_92 : memref<64xi32, #tpu.memory_space<vmem>>) semaphore(%arg14 : memref<!tpu.dma_semaphore, #tpu.memory_space<semaphore_mem>>)
    %dma_wait3A = arith.constant 0 : i32
    %dma_wait3A_96 = arith.constant 0 : i32
    %dma_wait3A_97 = tpu.memref_slice %arg6[%dma_wait3A, %dma_wait3A_96] : memref<512x128xf32, #tpu.memory_space<vmem>> -> memref<64x128xf32, #tpu.memory_space<vmem>>
    %dma_wait3A_98 = arith.constant 0 : i32
    %dma_wait3A_99 = tpu.memref_slice %arg5[%dma_wait3A_98] : memref<512xi32, #tpu.memory_space<vmem>> -> memref<64xi32, #tpu.memory_space<vmem>>
    %dma_wait3A_100 = arith.constant 0 : i32
    %dma_wait3A_101 = arith.constant 0 : i32
    %dma_wait3A_102 = tpu.memref_slice %arg3[%dma_wait3A_100, %dma_wait3A_101] : memref<100000x128xf32, #tpu.memory_space<hbm>> -> memref<100000x128xf32, #tpu.memory_space<hbm>>
    tpu.wait_indirect_dma semaphore(%arg7 : memref<!tpu.dma_semaphore, #tpu.memory_space<semaphore_mem>>) src(%dma_wait3A_102 : memref<100000x128xf32, #tpu.memory_space<hbm>>) dst(%dma_wait3A_97 : memref<64x128xf32, #tpu.memory_space<vmem>>)
    %scan3A = arith.constant 0 : i32
    %scan3A_103 = arith.constant 0 : i32
    %scan3A_104 = arith.constant 64 : i32
    %scan3A_105 = arith.addi %scan3A_103, %scan3A_104 : i32
    %scan3A_106 = arith.constant 1 : i32
    scf.for %scan3A_382 = %scan3A_103 to %scan3A_105 step %scan3A_106  : i32 {
      %add3A_383 = arith.constant 0 : i32
      %add3A_384 = arith.addi %add3A_383, %scan3A_382 : i32
      %get3A = arith.index_cast %add3A_384 : i32 to index
      %get3A_385 = arith.constant 0 : index
      %get3A_386 = tpu.vector_load %arg6[%get3A, %get3A_385] {strides = array<i32>} : memref<512x128xf32, #tpu.memory_space<vmem>>, vector<1x16xf32>,
      %get3A_387 = vector.shape_cast %get3A_386 : vector<1x16xf32> to vector<16xf32>
      %mul3A_388 = arith.constant 11.3137083 : f32
      %mul3A_389 = vector.broadcast %mul3A_388 : f32 to vector<16xf32>
      %mul3A_390 = arith.mulf %get3A_387, %mul3A_389 : vector<16xf32>
      %swap3A = arith.index_cast %add3A_384 : i32 to index
      %swap3A_391 = arith.constant 0 : index
      %swap3A_392 = tpu.vector_load %arg6[%swap3A, %swap3A_391] {strides = array<i32>} : memref<512x128xf32, #tpu.memory_space<vmem>>, vector<1x16xf32>,
      %swap3A_393 = vector.shape_cast %swap3A_392 : vector<1x16xf32> to vector<16xf32>
      %swap3A_394 = vector.shape_cast %mul3A_390 : vector<16xf32> to vector<1x16xf32>
      tpu.vector_store %arg6[%swap3A, %swap3A_391], %swap3A_394 {strides = array<i32>} : memref<512x128xf32, #tpu.memory_space<vmem>>, vector<1x16xf32>,
      %add3A_395 = arith.constant 0 : i32
      %add3A_396 = arith.addi %add3A_395, %scan3A_382 : i32
      %get3A_397 = arith.index_cast %add3A_396 : i32 to index
      %get3A_398 = arith.constant 16 : index
      %get3A_399 = tpu.vector_load %arg6[%get3A_397, %get3A_398] {strides = array<i32>} : memref<512x128xf32, #tpu.memory_space<vmem>>, vector<1x16xf32>,
      %get3A_400 = vector.shape_cast %get3A_399 : vector<1x16xf32> to vector<16xf32>
      %mul3A_401 = arith.constant 11.3137083 : f32
      %mul3A_402 = vector.broadcast %mul3A_401 : f32 to vector<16xf32>
      %mul3A_403 = arith.mulf %get3A_400, %mul3A_402 : vector<16xf32>
      %swap3A_404 = arith.index_cast %add3A_396 : i32 to index
      %swap3A_405 = arith.constant 16 : index
      %swap3A_406 = tpu.vector_load %arg6[%swap3A_404, %swap3A_405] {strides = array<i32>} : memref<512x128xf32, #tpu.memory_space<vmem>>, vector<1x16xf32>,
      %swap3A_407 = vector.shape_cast %swap3A_406 : vector<1x16xf32> to vector<16xf32>
      %swap3A_408 = vector.shape_cast %mul3A_403 : vector<16xf32> to vector<1x16xf32>
      tpu.vector_store %arg6[%swap3A_404, %swap3A_405], %swap3A_408 {strides = array<i32>} : memref<512x128xf32, #tpu.memory_space<vmem>>, vector<1x16xf32>,
      %add3A_409 = arith.constant 0 : i32
      %add3A_410 = arith.addi %add3A_409, %scan3A_382 : i32
      %get3A_411 = arith.index_cast %add3A_410 : i32 to index
      %get3A_412 = arith.constant 32 : index
      %get3A_413 = tpu.vector_load %arg6[%get3A_411, %get3A_412] {strides = array<i32>} : memref<512x128xf32, #tpu.memory_space<vmem>>, vector<1x16xf32>,
      %get3A_414 = vector.shape_cast %get3A_413 : vector<1x16xf32> to vector<16xf32>
      %mul3A_415 = arith.constant 11.3137083 : f32
      %mul3A_416 = vector.broadcast %mul3A_415 : f32 to vector<16xf32>
      %mul3A_417 = arith.mulf %get3A_414, %mul3A_416 : vector<16xf32>
      %swap3A_418 = arith.index_cast %add3A_410 : i32 to index
      %swap3A_419 = arith.constant 32 : index
      %swap3A_420 = tpu.vector_load %arg6[%swap3A_418, %swap3A_419] {strides = array<i32>} : memref<512x128xf32, #tpu.memory_space<vmem>>, vector<1x16xf32>,
      %swap3A_421 = vector.shape_cast %swap3A_420 : vector<1x16xf32> to vector<16xf32>
      %swap3A_422 = vector.shape_cast %mul3A_417 : vector<16xf32> to vector<1x16xf32>
      tpu.vector_store %arg6[%swap3A_418, %swap3A_419], %swap3A_422 {strides = array<i32>} : memref<512x128xf32, #tpu.memory_space<vmem>>, vector<1x16xf32>,
      %add3A_423 = arith.constant 0 : i32
      %add3A_424 = arith.addi %add3A_423, %scan3A_382 : i32
      %get3A_425 = arith.index_cast %add3A_424 : i32 to index
      %get3A_426 = arith.constant 48 : index
      %get3A_427 = tpu.vector_load %arg6[%get3A_425, %get3A_426] {strides = array<i32>} : memref<512x128xf32, #tpu.memory_space<vmem>>, vector<1x16xf32>,
      %get3A_428 = vector.shape_cast %get3A_427 : vector<1x16xf32> to vector<16xf32>
      %mul3A_429 = arith.constant 11.3137083 : f32
      %mul3A_430 = vector.broadcast %mul3A_429 : f32 to vector<16xf32>
      %mul3A_431 = arith.mulf %get3A_428, %mul3A_430 : vector<16xf32>
      %swap3A_432 = arith.index_cast %add3A_424 : i32 to index
      %swap3A_433 = arith.constant 48 : index
      %swap3A_434 = tpu.vector_load %arg6[%swap3A_432, %swap3A_433] {strides = array<i32>} : memref<512x128xf32, #tpu.memory_space<vmem>>, vector<1x16xf32>,
      %swap3A_435 = vector.shape_cast %swap3A_434 : vector<1x16xf32> to vector<16xf32>
      %swap3A_436 = vector.shape_cast %mul3A_431 : vector<16xf32> to vector<1x16xf32>
      tpu.vector_store %arg6[%swap3A_432, %swap3A_433], %swap3A_436 {strides = array<i32>} : memref<512x128xf32, #tpu.memory_space<vmem>>, vector<1x16xf32>,
      %add3A_437 = arith.constant 0 : i32
      %add3A_438 = arith.addi %add3A_437, %scan3A_382 : i32
      %get3A_439 = arith.index_cast %add3A_438 : i32 to index
      %get3A_440 = arith.constant 64 : index
      %get3A_441 = tpu.vector_load %arg6[%get3A_439, %get3A_440] {strides = array<i32>} : memref<512x128xf32, #tpu.memory_space<vmem>>, vector<1x16xf32>,
      %get3A_442 = vector.shape_cast %get3A_441 : vector<1x16xf32> to vector<16xf32>
      %mul3A_443 = arith.constant 11.3137083 : f32
      %mul3A_444 = vector.broadcast %mul3A_443 : f32 to vector<16xf32>
      %mul3A_445 = arith.mulf %get3A_442, %mul3A_444 : vector<16xf32>
      %swap3A_446 = arith.index_cast %add3A_438 : i32 to index
      %swap3A_447 = arith.constant 64 : index
      %swap3A_448 = tpu.vector_load %arg6[%swap3A_446, %swap3A_447] {strides = array<i32>} : memref<512x128xf32, #tpu.memory_space<vmem>>, vector<1x16xf32>,
      %swap3A_449 = vector.shape_cast %swap3A_448 : vector<1x16xf32> to vector<16xf32>
      %swap3A_450 = vector.shape_cast %mul3A_445 : vector<16xf32> to vector<1x16xf32>
      tpu.vector_store %arg6[%swap3A_446, %swap3A_447], %swap3A_450 {strides = array<i32>} : memref<512x128xf32, #tpu.memory_space<vmem>>, vector<1x16xf32>,
      %add3A_451 = arith.constant 0 : i32
      %add3A_452 = arith.addi %add3A_451, %scan3A_382 : i32
      %get3A_453 = arith.index_cast %add3A_452 : i32 to index
      %get3A_454 = arith.constant 80 : index
      %get3A_455 = tpu.vector_load %arg6[%get3A_453, %get3A_454] {strides = array<i32>} : memref<512x128xf32, #tpu.memory_space<vmem>>, vector<1x16xf32>,
      %get3A_456 = vector.shape_cast %get3A_455 : vector<1x16xf32> to vector<16xf32>
      %mul3A_457 = arith.constant 11.3137083 : f32
      %mul3A_458 = vector.broadcast %mul3A_457 : f32 to vector<16xf32>
      %mul3A_459 = arith.mulf %get3A_456, %mul3A_458 : vector<16xf32>
      %swap3A_460 = arith.index_cast %add3A_452 : i32 to index
      %swap3A_461 = arith.constant 80 : index
      %swap3A_462 = tpu.vector_load %arg6[%swap3A_460, %swap3A_461] {strides = array<i32>} : memref<512x128xf32, #tpu.memory_space<vmem>>, vector<1x16xf32>,
      %swap3A_463 = vector.shape_cast %swap3A_462 : vector<1x16xf32> to vector<16xf32>
      %swap3A_464 = vector.shape_cast %mul3A_459 : vector<16xf32> to vector<1x16xf32>
      tpu.vector_store %arg6[%swap3A_460, %swap3A_461], %swap3A_464 {strides = array<i32>} : memref<512x128xf32, #tpu.memory_space<vmem>>, vector<1x16xf32>,
      %add3A_465 = arith.constant 0 : i32
      %add3A_466 = arith.addi %add3A_465, %scan3A_382 : i32
      %get3A_467 = arith.index_cast %add3A_466 : i32 to index
      %get3A_468 = arith.constant 96 : index
      %get3A_469 = tpu.vector_load %arg6[%get3A_467, %get3A_468] {strides = array<i32>} : memref<512x128xf32, #tpu.memory_space<vmem>>, vector<1x16xf32>,
      %get3A_470 = vector.shape_cast %get3A_469 : vector<1x16xf32> to vector<16xf32>
      %mul3A_471 = arith.constant 11.3137083 : f32
      %mul3A_472 = vector.broadcast %mul3A_471 : f32 to vector<16xf32>
      %mul3A_473 = arith.mulf %get3A_470, %mul3A_472 : vector<16xf32>
      %swap3A_474 = arith.index_cast %add3A_466 : i32 to index
      %swap3A_475 = arith.constant 96 : index
      %swap3A_476 = tpu.vector_load %arg6[%swap3A_474, %swap3A_475] {strides = array<i32>} : memref<512x128xf32, #tpu.memory_space<vmem>>, vector<1x16xf32>,
      %swap3A_477 = vector.shape_cast %swap3A_476 : vector<1x16xf32> to vector<16xf32>
      %swap3A_478 = vector.shape_cast %mul3A_473 : vector<16xf32> to vector<1x16xf32>
      tpu.vector_store %arg6[%swap3A_474, %swap3A_475], %swap3A_478 {strides = array<i32>} : memref<512x128xf32, #tpu.memory_space<vmem>>, vector<1x16xf32>,
      %add3A_479 = arith.constant 0 : i32
      %add3A_480 = arith.addi %add3A_479, %scan3A_382 : i32
      %get3A_481 = arith.index_cast %add3A_480 : i32 to index
      %get3A_482 = arith.constant 112 : index
      %get3A_483 = tpu.vector_load %arg6[%get3A_481, %get3A_482] {strides = array<i32>} : memref<512x128xf32, #tpu.memory_space<vmem>>, vector<1x16xf32>,
      %get3A_484 = vector.shape_cast %get3A_483 : vector<1x16xf32> to vector<16xf32>
      %mul3A_485 = arith.constant 11.3137083 : f32
      %mul3A_486 = vector.broadcast %mul3A_485 : f32 to vector<16xf32>
      %mul3A_487 = arith.mulf %get3A_484, %mul3A_486 : vector<16xf32>
      %swap3A_488 = arith.index_cast %add3A_480 : i32 to index
      %swap3A_489 = arith.constant 112 : index
      %swap3A_490 = tpu.vector_load %arg6[%swap3A_488, %swap3A_489] {strides = array<i32>} : memref<512x128xf32, #tpu.memory_space<vmem>>, vector<1x16xf32>,
      %swap3A_491 = vector.shape_cast %swap3A_490 : vector<1x16xf32> to vector<16xf32>
      %swap3A_492 = vector.shape_cast %mul3A_487 : vector<16xf32> to vector<1x16xf32>
      tpu.vector_store %arg6[%swap3A_488, %swap3A_489], %swap3A_492 {strides = array<i32>} : memref<512x128xf32, #tpu.memory_space<vmem>>, vector<1x16xf32>,
    }
    %scan3A_107 = arith.constant 64 : i32
    %add3A_108 = arith.constant 0 : i32
    %add3A_109 = arith.addi %mul3A_2, %add3A_108 : i32
    %dma_start3A_110 = arith.constant 0 : i32
    %dma_start3A_111 = arith.constant 0 : i32
    %dma_start3A_112 = tpu.memref_slice %arg6[%dma_start3A_110, %dma_start3A_111] : memref<512x128xf32, #tpu.memory_space<vmem>> -> memref<64x128xf32, #tpu.memory_space<vmem>>
    %dma_start3A_113 = arith.constant 0 : i32
    %dma_start3A_114 = tpu.memref_slice %arg4[%add3A_109, %dma_start3A_113] : memref<16384x128xf32, #tpu.memory_space<hbm>> -> memref<64x128xf32, #tpu.memory_space<hbm>>
    %dma_start3A_115 = arith.constant 0 : i32
    %dma_start3A_116 = tpu.memref_slice %arg4[%add3A_109, %dma_start3A_115] : memref<16384x128xf32, #tpu.memory_space<hbm>> -> memref<64x128xf32, #tpu.memory_space<hbm>>
    %dma_start3A_117 = arith.constant 0 : i32
    %dma_start3A_118 = arith.constant 0 : i32
    %dma_start3A_119 = tpu.memref_slice %arg6[%dma_start3A_117, %dma_start3A_118] : memref<512x128xf32, #tpu.memory_space<vmem>> -> memref<64x128xf32, #tpu.memory_space<vmem>>
    tpu.enqueue_dma source(%dma_start3A_119 : memref<64x128xf32, #tpu.memory_space<vmem>>) target(%dma_start3A_116 : memref<64x128xf32, #tpu.memory_space<hbm>>) target_semaphore(%arg15 : memref<!tpu.dma_semaphore, #tpu.memory_space<semaphore_mem>>)
    %dma_wait3A_120 = arith.constant 64 : i32
    %dma_wait3A_121 = arith.constant 0 : i32
    %dma_wait3A_122 = tpu.memref_slice %arg6[%dma_wait3A_120, %dma_wait3A_121] : memref<512x128xf32, #tpu.memory_space<vmem>> -> memref<64x128xf32, #tpu.memory_space<vmem>>
    %dma_wait3A_123 = arith.constant 64 : i32
    %dma_wait3A_124 = tpu.memref_slice %arg5[%dma_wait3A_123] : memref<512xi32, #tpu.memory_space<vmem>> -> memref<64xi32, #tpu.memory_space<vmem>>
    %dma_wait3A_125 = arith.constant 0 : i32
    %dma_wait3A_126 = arith.constant 0 : i32
    %dma_wait3A_127 = tpu.memref_slice %arg3[%dma_wait3A_125, %dma_wait3A_126] : memref<100000x128xf32, #tpu.memory_space<hbm>> -> memref<100000x128xf32, #tpu.memory_space<hbm>>
    tpu.wait_indirect_dma semaphore(%arg8 : memref<!tpu.dma_semaphore, #tpu.memory_space<semaphore_mem>>) src(%dma_wait3A_127 : memref<100000x128xf32, #tpu.memory_space<hbm>>) dst(%dma_wait3A_122 : memref<64x128xf32, #tpu.memory_space<vmem>>)
    %scan3A_128 = arith.constant 0 : i32
    %scan3A_129 = arith.constant 0 : i32
    %scan3A_130 = arith.constant 64 : i32
    %scan3A_131 = arith.addi %scan3A_129, %scan3A_130 : i32
    %scan3A_132 = arith.constant 1 : i32
    scf.for %scan3A_382 = %scan3A_129 to %scan3A_131 step %scan3A_132  : i32 {
      %add3A_383 = arith.constant 64 : i32
      %add3A_384 = arith.addi %add3A_383, %scan3A_382 : i32
      %get3A = arith.index_cast %add3A_384 : i32 to index
      %get3A_385 = arith.constant 0 : index
      %get3A_386 = tpu.vector_load %arg6[%get3A, %get3A_385] {strides = array<i32>} : memref<512x128xf32, #tpu.memory_space<vmem>>, vector<1x16xf32>,
      %get3A_387 = vector.shape_cast %get3A_386 : vector<1x16xf32> to vector<16xf32>
      %mul3A_388 = arith.constant 11.3137083 : f32
      %mul3A_389 = vector.broadcast %mul3A_388 : f32 to vector<16xf32>
      %mul3A_390 = arith.mulf %get3A_387, %mul3A_389 : vector<16xf32>
      %swap3A = arith.index_cast %add3A_384 : i32 to index
      %swap3A_391 = arith.constant 0 : index
      %swap3A_392 = tpu.vector_load %arg6[%swap3A, %swap3A_391] {strides = array<i32>} : memref<512x128xf32, #tpu.memory_space<vmem>>, vector<1x16xf32>,
      %swap3A_393 = vector.shape_cast %swap3A_392 : vector<1x16xf32> to vector<16xf32>
      %swap3A_394 = vector.shape_cast %mul3A_390 : vector<16xf32> to vector<1x16xf32>
      tpu.vector_store %arg6[%swap3A, %swap3A_391], %swap3A_394 {strides = array<i32>} : memref<512x128xf32, #tpu.memory_space<vmem>>, vector<1x16xf32>,
      %add3A_395 = arith.constant 64 : i32
      %add3A_396 = arith.addi %add3A_395, %scan3A_382 : i32
      %get3A_397 = arith.index_cast %add3A_396 : i32 to index
      %get3A_398 = arith.constant 16 : index
      %get3A_399 = tpu.vector_load %arg6[%get3A_397, %get3A_398] {strides = array<i32>} : memref<512x128xf32, #tpu.memory_space<vmem>>, vector<1x16xf32>,
      %get3A_400 = vector.shape_cast %get3A_399 : vector<1x16xf32> to vector<16xf32>
      %mul3A_401 = arith.constant 11.3137083 : f32
      %mul3A_402 = vector.broadcast %mul3A_401 : f32 to vector<16xf32>
      %mul3A_403 = arith.mulf %get3A_400, %mul3A_402 : vector<16xf32>
      %swap3A_404 = arith.index_cast %add3A_396 : i32 to index
      %swap3A_405 = arith.constant 16 : index
      %swap3A_406 = tpu.vector_load %arg6[%swap3A_404, %swap3A_405] {strides = array<i32>} : memref<512x128xf32, #tpu.memory_space<vmem>>, vector<1x16xf32>,
      %swap3A_407 = vector.shape_cast %swap3A_406 : vector<1x16xf32> to vector<16xf32>
      %swap3A_408 = vector.shape_cast %mul3A_403 : vector<16xf32> to vector<1x16xf32>
      tpu.vector_store %arg6[%swap3A_404, %swap3A_405], %swap3A_408 {strides = array<i32>} : memref<512x128xf32, #tpu.memory_space<vmem>>, vector<1x16xf32>,
      %add3A_409 = arith.constant 64 : i32
      %add3A_410 = arith.addi %add3A_409, %scan3A_382 : i32
      %get3A_411 = arith.index_cast %add3A_410 : i32 to index
      %get3A_412 = arith.constant 32 : index
      %get3A_413 = tpu.vector_load %arg6[%get3A_411, %get3A_412] {strides = array<i32>} : memref<512x128xf32, #tpu.memory_space<vmem>>, vector<1x16xf32>,
      %get3A_414 = vector.shape_cast %get3A_413 : vector<1x16xf32> to vector<16xf32>
      %mul3A_415 = arith.constant 11.3137083 : f32
      %mul3A_416 = vector.broadcast %mul3A_415 : f32 to vector<16xf32>
      %mul3A_417 = arith.mulf %get3A_414, %mul3A_416 : vector<16xf32>
      %swap3A_418 = arith.index_cast %add3A_410 : i32 to index
      %swap3A_419 = arith.constant 32 : index
      %swap3A_420 = tpu.vector_load %arg6[%swap3A_418, %swap3A_419] {strides = array<i32>} : memref<512x128xf32, #tpu.memory_space<vmem>>, vector<1x16xf32>,
      %swap3A_421 = vector.shape_cast %swap3A_420 : vector<1x16xf32> to vector<16xf32>
      %swap3A_422 = vector.shape_cast %mul3A_417 : vector<16xf32> to vector<1x16xf32>
      tpu.vector_store %arg6[%swap3A_418, %swap3A_419], %swap3A_422 {strides = array<i32>} : memref<512x128xf32, #tpu.memory_space<vmem>>, vector<1x16xf32>,
      %add3A_423 = arith.constant 64 : i32
      %add3A_424 = arith.addi %add3A_423, %scan3A_382 : i32
      %get3A_425 = arith.index_cast %add3A_424 : i32 to index
      %get3A_426 = arith.constant 48 : index
      %get3A_427 = tpu.vector_load %arg6[%get3A_425, %get3A_426] {strides = array<i32>} : memref<512x128xf32, #tpu.memory_space<vmem>>, vector<1x16xf32>,
      %get3A_428 = vector.shape_cast %get3A_427 : vector<1x16xf32> to vector<16xf32>
      %mul3A_429 = arith.constant 11.3137083 : f32
      %mul3A_430 = vector.broadcast %mul3A_429 : f32 to vector<16xf32>
      %mul3A_431 = arith.mulf %get3A_428, %mul3A_430 : vector<16xf32>
      %swap3A_432 = arith.index_cast %add3A_424 : i32 to index
      %swap3A_433 = arith.constant 48 : index
      %swap3A_434 = tpu.vector_load %arg6[%swap3A_432, %swap3A_433] {strides = array<i32>} : memref<512x128xf32, #tpu.memory_space<vmem>>, vector<1x16xf32>,
      %swap3A_435 = vector.shape_cast %swap3A_434 : vector<1x16xf32> to vector<16xf32>
      %swap3A_436 = vector.shape_cast %mul3A_431 : vector<16xf32> to vector<1x16xf32>
      tpu.vector_store %arg6[%swap3A_432, %swap3A_433], %swap3A_436 {strides = array<i32>} : memref<512x128xf32, #tpu.memory_space<vmem>>, vector<1x16xf32>,
      %add3A_437 = arith.constant 64 : i32
      %add3A_438 = arith.addi %add3A_437, %scan3A_382 : i32
      %get3A_439 = arith.index_cast %add3A_438 : i32 to index
      %get3A_440 = arith.constant 64 : index
      %get3A_441 = tpu.vector_load %arg6[%get3A_439, %get3A_440] {strides = array<i32>} : memref<512x128xf32, #tpu.memory_space<vmem>>, vector<1x16xf32>,
      %get3A_442 = vector.shape_cast %get3A_441 : vector<1x16xf32> to vector<16xf32>
      %mul3A_443 = arith.constant 11.3137083 : f32
      %mul3A_444 = vector.broadcast %mul3A_443 : f32 to vector<16xf32>
      %mul3A_445 = arith.mulf %get3A_442, %mul3A_444 : vector<16xf32>
      %swap3A_446 = arith.index_cast %add3A_438 : i32 to index
      %swap3A_447 = arith.constant 64 : index
      %swap3A_448 = tpu.vector_load %arg6[%swap3A_446, %swap3A_447] {strides = array<i32>} : memref<512x128xf32, #tpu.memory_space<vmem>>, vector<1x16xf32>,
      %swap3A_449 = vector.shape_cast %swap3A_448 : vector<1x16xf32> to vector<16xf32>
      %swap3A_450 = vector.shape_cast %mul3A_445 : vector<16xf32> to vector<1x16xf32>
      tpu.vector_store %arg6[%swap3A_446, %swap3A_447], %swap3A_450 {strides = array<i32>} : memref<512x128xf32, #tpu.memory_space<vmem>>, vector<1x16xf32>,
      %add3A_451 = arith.constant 64 : i32
      %add3A_452 = arith.addi %add3A_451, %scan3A_382 : i32
      %get3A_453 = arith.index_cast %add3A_452 : i32 to index
      %get3A_454 = arith.constant 80 : index
      %get3A_455 = tpu.vector_load %arg6[%get3A_453, %get3A_454] {strides = array<i32>} : memref<512x128xf32, #tpu.memory_space<vmem>>, vector<1x16xf32>,
      %get3A_456 = vector.shape_cast %get3A_455 : vector<1x16xf32> to vector<16xf32>
      %mul3A_457 = arith.constant 11.3137083 : f32
      %mul3A_458 = vector.broadcast %mul3A_457 : f32 to vector<16xf32>
      %mul3A_459 = arith.mulf %get3A_456, %mul3A_458 : vector<16xf32>
      %swap3A_460 = arith.index_cast %add3A_452 : i32 to index
      %swap3A_461 = arith.constant 80 : index
      %swap3A_462 = tpu.vector_load %arg6[%swap3A_460, %swap3A_461] {strides = array<i32>} : memref<512x128xf32, #tpu.memory_space<vmem>>, vector<1x16xf32>,
      %swap3A_463 = vector.shape_cast %swap3A_462 : vector<1x16xf32> to vector<16xf32>
      %swap3A_464 = vector.shape_cast %mul3A_459 : vector<16xf32> to vector<1x16xf32>
      tpu.vector_store %arg6[%swap3A_460, %swap3A_461], %swap3A_464 {strides = array<i32>} : memref<512x128xf32, #tpu.memory_space<vmem>>, vector<1x16xf32>,
      %add3A_465 = arith.constant 64 : i32
      %add3A_466 = arith.addi %add3A_465, %scan3A_382 : i32
      %get3A_467 = arith.index_cast %add3A_466 : i32 to index
      %get3A_468 = arith.constant 96 : index
      %get3A_469 = tpu.vector_load %arg6[%get3A_467, %get3A_468] {strides = array<i32>} : memref<512x128xf32, #tpu.memory_space<vmem>>, vector<1x16xf32>,
      %get3A_470 = vector.shape_cast %get3A_469 : vector<1x16xf32> to vector<16xf32>
      %mul3A_471 = arith.constant 11.3137083 : f32
      %mul3A_472 = vector.broadcast %mul3A_471 : f32 to vector<16xf32>
      %mul3A_473 = arith.mulf %get3A_470, %mul3A_472 : vector<16xf32>
      %swap3A_474 = arith.index_cast %add3A_466 : i32 to index
      %swap3A_475 = arith.constant 96 : index
      %swap3A_476 = tpu.vector_load %arg6[%swap3A_474, %swap3A_475] {strides = array<i32>} : memref<512x128xf32, #tpu.memory_space<vmem>>, vector<1x16xf32>,
      %swap3A_477 = vector.shape_cast %swap3A_476 : vector<1x16xf32> to vector<16xf32>
      %swap3A_478 = vector.shape_cast %mul3A_473 : vector<16xf32> to vector<1x16xf32>
      tpu.vector_store %arg6[%swap3A_474, %swap3A_475], %swap3A_478 {strides = array<i32>} : memref<512x128xf32, #tpu.memory_space<vmem>>, vector<1x16xf32>,
      %add3A_479 = arith.constant 64 : i32
      %add3A_480 = arith.addi %add3A_479, %scan3A_382 : i32
      %get3A_481 = arith.index_cast %add3A_480 : i32 to index
      %get3A_482 = arith.constant 112 : index
      %get3A_483 = tpu.vector_load %arg6[%get3A_481, %get3A_482] {strides = array<i32>} : memref<512x128xf32, #tpu.memory_space<vmem>>, vector<1x16xf32>,
      %get3A_484 = vector.shape_cast %get3A_483 : vector<1x16xf32> to vector<16xf32>
      %mul3A_485 = arith.constant 11.3137083 : f32
      %mul3A_486 = vector.broadcast %mul3A_485 : f32 to vector<16xf32>
      %mul3A_487 = arith.mulf %get3A_484, %mul3A_486 : vector<16xf32>
      %swap3A_488 = arith.index_cast %add3A_480 : i32 to index
      %swap3A_489 = arith.constant 112 : index
      %swap3A_490 = tpu.vector_load %arg6[%swap3A_488, %swap3A_489] {strides = array<i32>} : memref<512x128xf32, #tpu.memory_space<vmem>>, vector<1x16xf32>,
      %swap3A_491 = vector.shape_cast %swap3A_490 : vector<1x16xf32> to vector<16xf32>
      %swap3A_492 = vector.shape_cast %mul3A_487 : vector<16xf32> to vector<1x16xf32>
      tpu.vector_store %arg6[%swap3A_488, %swap3A_489], %swap3A_492 {strides = array<i32>} : memref<512x128xf32, #tpu.memory_space<vmem>>, vector<1x16xf32>,
    }
    %scan3A_133 = arith.constant 64 : i32
    %add3A_134 = arith.constant 64 : i32
    %add3A_135 = arith.addi %mul3A_2, %add3A_134 : i32
    %dma_start3A_136 = arith.constant 64 : i32
    %dma_start3A_137 = arith.constant 0 : i32
    %dma_start3A_138 = tpu.memref_slice %arg6[%dma_start3A_136, %dma_start3A_137] : memref<512x128xf32, #tpu.memory_space<vmem>> -> memref<64x128xf32, #tpu.memory_space<vmem>>
    %dma_start3A_139 = arith.constant 0 : i32
    %dma_start3A_140 = tpu.memref_slice %arg4[%add3A_135, %dma_start3A_139] : memref<16384x128xf32, #tpu.memory_space<hbm>> -> memref<64x128xf32, #tpu.memory_space<hbm>>
    %dma_start3A_141 = arith.constant 0 : i32
    %dma_start3A_142 = tpu.memref_slice %arg4[%add3A_135, %dma_start3A_141] : memref<16384x128xf32, #tpu.memory_space<hbm>> -> memref<64x128xf32, #tpu.memory_space<hbm>>
    %dma_start3A_143 = arith.constant 64 : i32
    %dma_start3A_144 = arith.constant 0 : i32
    %dma_start3A_145 = tpu.memref_slice %arg6[%dma_start3A_143, %dma_start3A_144] : memref<512x128xf32, #tpu.memory_space<vmem>> -> memref<64x128xf32, #tpu.memory_space<vmem>>
    tpu.enqueue_dma source(%dma_start3A_145 : memref<64x128xf32, #tpu.memory_space<vmem>>) target(%dma_start3A_142 : memref<64x128xf32, #tpu.memory_space<hbm>>) target_semaphore(%arg15 : memref<!tpu.dma_semaphore, #tpu.memory_space<semaphore_mem>>)
    %dma_wait3A_146 = arith.constant 128 : i32
    %dma_wait3A_147 = arith.constant 0 : i32
    %dma_wait3A_148 = tpu.memref_slice %arg6[%dma_wait3A_146, %dma_wait3A_147] : memref<512x128xf32, #tpu.memory_space<vmem>> -> memref<64x128xf32, #tpu.memory_space<vmem>>
    %dma_wait3A_149 = arith.constant 128 : i32
    %dma_wait3A_150 = tpu.memref_slice %arg5[%dma_wait3A_149] : memref<512xi32, #tpu.memory_space<vmem>> -> memref<64xi32, #tpu.memory_space<vmem>>
    %dma_wait3A_151 = arith.constant 0 : i32
    %dma_wait3A_152 = arith.constant 0 : i32
    %dma_wait3A_153 = tpu.memref_slice %arg3[%dma_wait3A_151, %dma_wait3A_152] : memref<100000x128xf32, #tpu.memory_space<hbm>> -> memref<100000x128xf32, #tpu.memory_space<hbm>>
    tpu.wait_indirect_dma semaphore(%arg9 : memref<!tpu.dma_semaphore, #tpu.memory_space<semaphore_mem>>) src(%dma_wait3A_153 : memref<100000x128xf32, #tpu.memory_space<hbm>>) dst(%dma_wait3A_148 : memref<64x128xf32, #tpu.memory_space<vmem>>)
    %scan3A_154 = arith.constant 0 : i32
    %scan3A_155 = arith.constant 0 : i32
    %scan3A_156 = arith.constant 64 : i32
    %scan3A_157 = arith.addi %scan3A_155, %scan3A_156 : i32
    %scan3A_158 = arith.constant 1 : i32
    scf.for %scan3A_382 = %scan3A_155 to %scan3A_157 step %scan3A_158  : i32 {
      %add3A_383 = arith.constant 128 : i32
      %add3A_384 = arith.addi %add3A_383, %scan3A_382 : i32
      %get3A = arith.index_cast %add3A_384 : i32 to index
      %get3A_385 = arith.constant 0 : index
      %get3A_386 = tpu.vector_load %arg6[%get3A, %get3A_385] {strides = array<i32>} : memref<512x128xf32, #tpu.memory_space<vmem>>, vector<1x16xf32>,
      %get3A_387 = vector.shape_cast %get3A_386 : vector<1x16xf32> to vector<16xf32>
      %mul3A_388 = arith.constant 11.3137083 : f32
      %mul3A_389 = vector.broadcast %mul3A_388 : f32 to vector<16xf32>
      %mul3A_390 = arith.mulf %get3A_387, %mul3A_389 : vector<16xf32>
      %swap3A = arith.index_cast %add3A_384 : i32 to index
      %swap3A_391 = arith.constant 0 : index
      %swap3A_392 = tpu.vector_load %arg6[%swap3A, %swap3A_391] {strides = array<i32>} : memref<512x128xf32, #tpu.memory_space<vmem>>, vector<1x16xf32>,
      %swap3A_393 = vector.shape_cast %swap3A_392 : vector<1x16xf32> to vector<16xf32>
      %swap3A_394 = vector.shape_cast %mul3A_390 : vector<16xf32> to vector<1x16xf32>
      tpu.vector_store %arg6[%swap3A, %swap3A_391], %swap3A_394 {strides = array<i32>} : memref<512x128xf32, #tpu.memory_space<vmem>>, vector<1x16xf32>,
      %add3A_395 = arith.constant 128 : i32
      %add3A_396 = arith.addi %add3A_395, %scan3A_382 : i32
      %get3A_397 = arith.index_cast %add3A_396 : i32 to index
      %get3A_398 = arith.constant 16 : index
      %get3A_399 = tpu.vector_load %arg6[%get3A_397, %get3A_398] {strides = array<i32>} : memref<512x128xf32, #tpu.memory_space<vmem>>, vector<1x16xf32>,
      %get3A_400 = vector.shape_cast %get3A_399 : vector<1x16xf32> to vector<16xf32>
      %mul3A_401 = arith.constant 11.3137083 : f32
      %mul3A_402 = vector.broadcast %mul3A_401 : f32 to vector<16xf32>
      %mul3A_403 = arith.mulf %get3A_400, %mul3A_402 : vector<16xf32>
      %swap3A_404 = arith.index_cast %add3A_396 : i32 to index
      %swap3A_405 = arith.constant 16 : index
      %swap3A_406 = tpu.vector_load %arg6[%swap3A_404, %swap3A_405] {strides = array<i32>} : memref<512x128xf32, #tpu.memory_space<vmem>>, vector<1x16xf32>,
      %swap3A_407 = vector.shape_cast %swap3A_406 : vector<1x16xf32> to vector<16xf32>
      %swap3A_408 = vector.shape_cast %mul3A_403 : vector<16xf32> to vector<1x16xf32>
      tpu.vector_store %arg6[%swap3A_404, %swap3A_405], %swap3A_408 {strides = array<i32>} : memref<512x128xf32, #tpu.memory_space<vmem>>, vector<1x16xf32>,
      %add3A_409 = arith.constant 128 : i32
      %add3A_410 = arith.addi %add3A_409, %scan3A_382 : i32
      %get3A_411 = arith.index_cast %add3A_410 : i32 to index
      %get3A_412 = arith.constant 32 : index
      %get3A_413 = tpu.vector_load %arg6[%get3A_411, %get3A_412] {strides = array<i32>} : memref<512x128xf32, #tpu.memory_space<vmem>>, vector<1x16xf32>,
      %get3A_414 = vector.shape_cast %get3A_413 : vector<1x16xf32> to vector<16xf32>
      %mul3A_415 = arith.constant 11.3137083 : f32
      %mul3A_416 = vector.broadcast %mul3A_415 : f32 to vector<16xf32>
      %mul3A_417 = arith.mulf %get3A_414, %mul3A_416 : vector<16xf32>
      %swap3A_418 = arith.index_cast %add3A_410 : i32 to index
      %swap3A_419 = arith.constant 32 : index
      %swap3A_420 = tpu.vector_load %arg6[%swap3A_418, %swap3A_419] {strides = array<i32>} : memref<512x128xf32, #tpu.memory_space<vmem>>, vector<1x16xf32>,
      %swap3A_421 = vector.shape_cast %swap3A_420 : vector<1x16xf32> to vector<16xf32>
      %swap3A_422 = vector.shape_cast %mul3A_417 : vector<16xf32> to vector<1x16xf32>
      tpu.vector_store %arg6[%swap3A_418, %swap3A_419], %swap3A_422 {strides = array<i32>} : memref<512x128xf32, #tpu.memory_space<vmem>>, vector<1x16xf32>,
      %add3A_423 = arith.constant 128 : i32
      %add3A_424 = arith.addi %add3A_423, %scan3A_382 : i32
      %get3A_425 = arith.index_cast %add3A_424 : i32 to index
      %get3A_426 = arith.constant 48 : index
      %get3A_427 = tpu.vector_load %arg6[%get3A_425, %get3A_426] {strides = array<i32>} : memref<512x128xf32, #tpu.memory_space<vmem>>, vector<1x16xf32>,
      %get3A_428 = vector.shape_cast %get3A_427 : vector<1x16xf32> to vector<16xf32>
      %mul3A_429 = arith.constant 11.3137083 : f32
      %mul3A_430 = vector.broadcast %mul3A_429 : f32 to vector<16xf32>
      %mul3A_431 = arith.mulf %get3A_428, %mul3A_430 : vector<16xf32>
      %swap3A_432 = arith.index_cast %add3A_424 : i32 to index
      %swap3A_433 = arith.constant 48 : index
      %swap3A_434 = tpu.vector_load %arg6[%swap3A_432, %swap3A_433] {strides = array<i32>} : memref<512x128xf32, #tpu.memory_space<vmem>>, vector<1x16xf32>,
      %swap3A_435 = vector.shape_cast %swap3A_434 : vector<1x16xf32> to vector<16xf32>
      %swap3A_436 = vector.shape_cast %mul3A_431 : vector<16xf32> to vector<1x16xf32>
      tpu.vector_store %arg6[%swap3A_432, %swap3A_433], %swap3A_436 {strides = array<i32>} : memref<512x128xf32, #tpu.memory_space<vmem>>, vector<1x16xf32>,
      %add3A_437 = arith.constant 128 : i32
      %add3A_438 = arith.addi %add3A_437, %scan3A_382 : i32
      %get3A_439 = arith.index_cast %add3A_438 : i32 to index
      %get3A_440 = arith.constant 64 : index
      %get3A_441 = tpu.vector_load %arg6[%get3A_439, %get3A_440] {strides = array<i32>} : memref<512x128xf32, #tpu.memory_space<vmem>>, vector<1x16xf32>,
      %get3A_442 = vector.shape_cast %get3A_441 : vector<1x16xf32> to vector<16xf32>
      %mul3A_443 = arith.constant 11.3137083 : f32
      %mul3A_444 = vector.broadcast %mul3A_443 : f32 to vector<16xf32>
      %mul3A_445 = arith.mulf %get3A_442, %mul3A_444 : vector<16xf32>
      %swap3A_446 = arith.index_cast %add3A_438 : i32 to index
      %swap3A_447 = arith.constant 64 : index
      %swap3A_448 = tpu.vector_load %arg6[%swap3A_446, %swap3A_447] {strides = array<i32>} : memref<512x128xf32, #tpu.memory_space<vmem>>, vector<1x16xf32>,
      %swap3A_449 = vector.shape_cast %swap3A_448 : vector<1x16xf32> to vector<16xf32>
      %swap3A_450 = vector.shape_cast %mul3A_445 : vector<16xf32> to vector<1x16xf32>
      tpu.vector_store %arg6[%swap3A_446, %swap3A_447], %swap3A_450 {strides = array<i32>} : memref<512x128xf32, #tpu.memory_space<vmem>>, vector<1x16xf32>,
      %add3A_451 = arith.constant 128 : i32
      %add3A_452 = arith.addi %add3A_451, %scan3A_382 : i32
      %get3A_453 = arith.index_cast %add3A_452 : i32 to index
      %get3A_454 = arith.constant 80 : index
      %get3A_455 = tpu.vector_load %arg6[%get3A_453, %get3A_454] {strides = array<i32>} : memref<512x128xf32, #tpu.memory_space<vmem>>, vector<1x16xf32>,
      %get3A_456 = vector.shape_cast %get3A_455 : vector<1x16xf32> to vector<16xf32>
      %mul3A_457 = arith.constant 11.3137083 : f32
      %mul3A_458 = vector.broadcast %mul3A_457 : f32 to vector<16xf32>
      %mul3A_459 = arith.mulf %get3A_456, %mul3A_458 : vector<16xf32>
      %swap3A_460 = arith.index_cast %add3A_452 : i32 to index
      %swap3A_461 = arith.constant 80 : index
      %swap3A_462 = tpu.vector_load %arg6[%swap3A_460, %swap3A_461] {strides = array<i32>} : memref<512x128xf32, #tpu.memory_space<vmem>>, vector<1x16xf32>,
      %swap3A_463 = vector.shape_cast %swap3A_462 : vector<1x16xf32> to vector<16xf32>
      %swap3A_464 = vector.shape_cast %mul3A_459 : vector<16xf32> to vector<1x16xf32>
      tpu.vector_store %arg6[%swap3A_460, %swap3A_461], %swap3A_464 {strides = array<i32>} : memref<512x128xf32, #tpu.memory_space<vmem>>, vector<1x16xf32>,
      %add3A_465 = arith.constant 128 : i32
      %add3A_466 = arith.addi %add3A_465, %scan3A_382 : i32
      %get3A_467 = arith.index_cast %add3A_466 : i32 to index
      %get3A_468 = arith.constant 96 : index
      %get3A_469 = tpu.vector_load %arg6[%get3A_467, %get3A_468] {strides = array<i32>} : memref<512x128xf32, #tpu.memory_space<vmem>>, vector<1x16xf32>,
      %get3A_470 = vector.shape_cast %get3A_469 : vector<1x16xf32> to vector<16xf32>
      %mul3A_471 = arith.constant 11.3137083 : f32
      %mul3A_472 = vector.broadcast %mul3A_471 : f32 to vector<16xf32>
      %mul3A_473 = arith.mulf %get3A_470, %mul3A_472 : vector<16xf32>
      %swap3A_474 = arith.index_cast %add3A_466 : i32 to index
      %swap3A_475 = arith.constant 96 : index
      %swap3A_476 = tpu.vector_load %arg6[%swap3A_474, %swap3A_475] {strides = array<i32>} : memref<512x128xf32, #tpu.memory_space<vmem>>, vector<1x16xf32>,
      %swap3A_477 = vector.shape_cast %swap3A_476 : vector<1x16xf32> to vector<16xf32>
      %swap3A_478 = vector.shape_cast %mul3A_473 : vector<16xf32> to vector<1x16xf32>
      tpu.vector_store %arg6[%swap3A_474, %swap3A_475], %swap3A_478 {strides = array<i32>} : memref<512x128xf32, #tpu.memory_space<vmem>>, vector<1x16xf32>,
      %add3A_479 = arith.constant 128 : i32
      %add3A_480 = arith.addi %add3A_479, %scan3A_382 : i32
      %get3A_481 = arith.index_cast %add3A_480 : i32 to index
      %get3A_482 = arith.constant 112 : index
      %get3A_483 = tpu.vector_load %arg6[%get3A_481, %get3A_482] {strides = array<i32>} : memref<512x128xf32, #tpu.memory_space<vmem>>, vector<1x16xf32>,
      %get3A_484 = vector.shape_cast %get3A_483 : vector<1x16xf32> to vector<16xf32>
      %mul3A_485 = arith.constant 11.3137083 : f32
      %mul3A_486 = vector.broadcast %mul3A_485 : f32 to vector<16xf32>
      %mul3A_487 = arith.mulf %get3A_484, %mul3A_486 : vector<16xf32>
      %swap3A_488 = arith.index_cast %add3A_480 : i32 to index
      %swap3A_489 = arith.constant 112 : index
      %swap3A_490 = tpu.vector_load %arg6[%swap3A_488, %swap3A_489] {strides = array<i32>} : memref<512x128xf32, #tpu.memory_space<vmem>>, vector<1x16xf32>,
      %swap3A_491 = vector.shape_cast %swap3A_490 : vector<1x16xf32> to vector<16xf32>
      %swap3A_492 = vector.shape_cast %mul3A_487 : vector<16xf32> to vector<1x16xf32>
      tpu.vector_store %arg6[%swap3A_488, %swap3A_489], %swap3A_492 {strides = array<i32>} : memref<512x128xf32, #tpu.memory_space<vmem>>, vector<1x16xf32>,
    }
    %scan3A_159 = arith.constant 64 : i32
    %add3A_160 = arith.constant 128 : i32
    %add3A_161 = arith.addi %mul3A_2, %add3A_160 : i32
    %dma_start3A_162 = arith.constant 128 : i32
    %dma_start3A_163 = arith.constant 0 : i32
    %dma_start3A_164 = tpu.memref_slice %arg6[%dma_start3A_162, %dma_start3A_163] : memref<512x128xf32, #tpu.memory_space<vmem>> -> memref<64x128xf32, #tpu.memory_space<vmem>>
    %dma_start3A_165 = arith.constant 0 : i32
    %dma_start3A_166 = tpu.memref_slice %arg4[%add3A_161, %dma_start3A_165] : memref<16384x128xf32, #tpu.memory_space<hbm>> -> memref<64x128xf32, #tpu.memory_space<hbm>>
    %dma_start3A_167 = arith.constant 0 : i32
    %dma_start3A_168 = tpu.memref_slice %arg4[%add3A_161, %dma_start3A_167] : memref<16384x128xf32, #tpu.memory_space<hbm>> -> memref<64x128xf32, #tpu.memory_space<hbm>>
    %dma_start3A_169 = arith.constant 128 : i32
    %dma_start3A_170 = arith.constant 0 : i32
    %dma_start3A_171 = tpu.memref_slice %arg6[%dma_start3A_169, %dma_start3A_170] : memref<512x128xf32, #tpu.memory_space<vmem>> -> memref<64x128xf32, #tpu.memory_space<vmem>>
    tpu.enqueue_dma source(%dma_start3A_171 : memref<64x128xf32, #tpu.memory_space<vmem>>) target(%dma_start3A_168 : memref<64x128xf32, #tpu.memory_space<hbm>>) target_semaphore(%arg15 : memref<!tpu.dma_semaphore, #tpu.memory_space<semaphore_mem>>)
    %dma_wait3A_172 = arith.constant 192 : i32
    %dma_wait3A_173 = arith.constant 0 : i32
    %dma_wait3A_174 = tpu.memref_slice %arg6[%dma_wait3A_172, %dma_wait3A_173] : memref<512x128xf32, #tpu.memory_space<vmem>> -> memref<64x128xf32, #tpu.memory_space<vmem>>
    %dma_wait3A_175 = arith.constant 192 : i32
    %dma_wait3A_176 = tpu.memref_slice %arg5[%dma_wait3A_175] : memref<512xi32, #tpu.memory_space<vmem>> -> memref<64xi32, #tpu.memory_space<vmem>>
    %dma_wait3A_177 = arith.constant 0 : i32
    %dma_wait3A_178 = arith.constant 0 : i32
    %dma_wait3A_179 = tpu.memref_slice %arg3[%dma_wait3A_177, %dma_wait3A_178] : memref<100000x128xf32, #tpu.memory_space<hbm>> -> memref<100000x128xf32, #tpu.memory_space<hbm>>
    tpu.wait_indirect_dma semaphore(%arg10 : memref<!tpu.dma_semaphore, #tpu.memory_space<semaphore_mem>>) src(%dma_wait3A_179 : memref<100000x128xf32, #tpu.memory_space<hbm>>) dst(%dma_wait3A_174 : memref<64x128xf32, #tpu.memory_space<vmem>>)
    %scan3A_180 = arith.constant 0 : i32
    %scan3A_181 = arith.constant 0 : i32
    %scan3A_182 = arith.constant 64 : i32
    %scan3A_183 = arith.addi %scan3A_181, %scan3A_182 : i32
    %scan3A_184 = arith.constant 1 : i32
    scf.for %scan3A_382 = %scan3A_181 to %scan3A_183 step %scan3A_184  : i32 {
      %add3A_383 = arith.constant 192 : i32
      %add3A_384 = arith.addi %add3A_383, %scan3A_382 : i32
      %get3A = arith.index_cast %add3A_384 : i32 to index
      %get3A_385 = arith.constant 0 : index
      %get3A_386 = tpu.vector_load %arg6[%get3A, %get3A_385] {strides = array<i32>} : memref<512x128xf32, #tpu.memory_space<vmem>>, vector<1x16xf32>,
      %get3A_387 = vector.shape_cast %get3A_386 : vector<1x16xf32> to vector<16xf32>
      %mul3A_388 = arith.constant 11.3137083 : f32
      %mul3A_389 = vector.broadcast %mul3A_388 : f32 to vector<16xf32>
      %mul3A_390 = arith.mulf %get3A_387, %mul3A_389 : vector<16xf32>
      %swap3A = arith.index_cast %add3A_384 : i32 to index
      %swap3A_391 = arith.constant 0 : index
      %swap3A_392 = tpu.vector_load %arg6[%swap3A, %swap3A_391] {strides = array<i32>} : memref<512x128xf32, #tpu.memory_space<vmem>>, vector<1x16xf32>,
      %swap3A_393 = vector.shape_cast %swap3A_392 : vector<1x16xf32> to vector<16xf32>
      %swap3A_394 = vector.shape_cast %mul3A_390 : vector<16xf32> to vector<1x16xf32>
      tpu.vector_store %arg6[%swap3A, %swap3A_391], %swap3A_394 {strides = array<i32>} : memref<512x128xf32, #tpu.memory_space<vmem>>, vector<1x16xf32>,
      %add3A_395 = arith.constant 192 : i32
      %add3A_396 = arith.addi %add3A_395, %scan3A_382 : i32
      %get3A_397 = arith.index_cast %add3A_396 : i32 to index
      %get3A_398 = arith.constant 16 : index
      %get3A_399 = tpu.vector_load %arg6[%get3A_397, %get3A_398] {strides = array<i32>} : memref<512x128xf32, #tpu.memory_space<vmem>>, vector<1x16xf32>,
      %get3A_400 = vector.shape_cast %get3A_399 : vector<1x16xf32> to vector<16xf32>
      %mul3A_401 = arith.constant 11.3137083 : f32
      %mul3A_402 = vector.broadcast %mul3A_401 : f32 to vector<16xf32>
      %mul3A_403 = arith.mulf %get3A_400, %mul3A_402 : vector<16xf32>
      %swap3A_404 = arith.index_cast %add3A_396 : i32 to index
      %swap3A_405 = arith.constant 16 : index
      %swap3A_406 = tpu.vector_load %arg6[%swap3A_404, %swap3A_405] {strides = array<i32>} : memref<512x128xf32, #tpu.memory_space<vmem>>, vector<1x16xf32>,
      %swap3A_407 = vector.shape_cast %swap3A_406 : vector<1x16xf32> to vector<16xf32>
      %swap3A_408 = vector.shape_cast %mul3A_403 : vector<16xf32> to vector<1x16xf32>
      tpu.vector_store %arg6[%swap3A_404, %swap3A_405], %swap3A_408 {strides = array<i32>} : memref<512x128xf32, #tpu.memory_space<vmem>>, vector<1x16xf32>,
      %add3A_409 = arith.constant 192 : i32
      %add3A_410 = arith.addi %add3A_409, %scan3A_382 : i32
      %get3A_411 = arith.index_cast %add3A_410 : i32 to index
      %get3A_412 = arith.constant 32 : index
      %get3A_413 = tpu.vector_load %arg6[%get3A_411, %get3A_412] {strides = array<i32>} : memref<512x128xf32, #tpu.memory_space<vmem>>, vector<1x16xf32>,
      %get3A_414 = vector.shape_cast %get3A_413 : vector<1x16xf32> to vector<16xf32>
      %mul3A_415 = arith.constant 11.3137083 : f32
      %mul3A_416 = vector.broadcast %mul3A_415 : f32 to vector<16xf32>
      %mul3A_417 = arith.mulf %get3A_414, %mul3A_416 : vector<16xf32>
      %swap3A_418 = arith.index_cast %add3A_410 : i32 to index
      %swap3A_419 = arith.constant 32 : index
      %swap3A_420 = tpu.vector_load %arg6[%swap3A_418, %swap3A_419] {strides = array<i32>} : memref<512x128xf32, #tpu.memory_space<vmem>>, vector<1x16xf32>,
      %swap3A_421 = vector.shape_cast %swap3A_420 : vector<1x16xf32> to vector<16xf32>
      %swap3A_422 = vector.shape_cast %mul3A_417 : vector<16xf32> to vector<1x16xf32>
      tpu.vector_store %arg6[%swap3A_418, %swap3A_419], %swap3A_422 {strides = array<i32>} : memref<512x128xf32, #tpu.memory_space<vmem>>, vector<1x16xf32>,
      %add3A_423 = arith.constant 192 : i32
      %add3A_424 = arith.addi %add3A_423, %scan3A_382 : i32
      %get3A_425 = arith.index_cast %add3A_424 : i32 to index
      %get3A_426 = arith.constant 48 : index
      %get3A_427 = tpu.vector_load %arg6[%get3A_425, %get3A_426] {strides = array<i32>} : memref<512x128xf32, #tpu.memory_space<vmem>>, vector<1x16xf32>,
      %get3A_428 = vector.shape_cast %get3A_427 : vector<1x16xf32> to vector<16xf32>
      %mul3A_429 = arith.constant 11.3137083 : f32
      %mul3A_430 = vector.broadcast %mul3A_429 : f32 to vector<16xf32>
      %mul3A_431 = arith.mulf %get3A_428, %mul3A_430 : vector<16xf32>
      %swap3A_432 = arith.index_cast %add3A_424 : i32 to index
      %swap3A_433 = arith.constant 48 : index
      %swap3A_434 = tpu.vector_load %arg6[%swap3A_432, %swap3A_433] {strides = array<i32>} : memref<512x128xf32, #tpu.memory_space<vmem>>, vector<1x16xf32>,
      %swap3A_435 = vector.shape_cast %swap3A_434 : vector<1x16xf32> to vector<16xf32>
      %swap3A_436 = vector.shape_cast %mul3A_431 : vector<16xf32> to vector<1x16xf32>
      tpu.vector_store %arg6[%swap3A_432, %swap3A_433], %swap3A_436 {strides = array<i32>} : memref<512x128xf32, #tpu.memory_space<vmem>>, vector<1x16xf32>,
      %add3A_437 = arith.constant 192 : i32
      %add3A_438 = arith.addi %add3A_437, %scan3A_382 : i32
      %get3A_439 = arith.index_cast %add3A_438 : i32 to index
      %get3A_440 = arith.constant 64 : index
      %get3A_441 = tpu.vector_load %arg6[%get3A_439, %get3A_440] {strides = array<i32>} : memref<512x128xf32, #tpu.memory_space<vmem>>, vector<1x16xf32>,
      %get3A_442 = vector.shape_cast %get3A_441 : vector<1x16xf32> to vector<16xf32>
      %mul3A_443 = arith.constant 11.3137083 : f32
      %mul3A_444 = vector.broadcast %mul3A_443 : f32 to vector<16xf32>
      %mul3A_445 = arith.mulf %get3A_442, %mul3A_444 : vector<16xf32>
      %swap3A_446 = arith.index_cast %add3A_438 : i32 to index
      %swap3A_447 = arith.constant 64 : index
      %swap3A_448 = tpu.vector_load %arg6[%swap3A_446, %swap3A_447] {strides = array<i32>} : memref<512x128xf32, #tpu.memory_space<vmem>>, vector<1x16xf32>,
      %swap3A_449 = vector.shape_cast %swap3A_448 : vector<1x16xf32> to vector<16xf32>
      %swap3A_450 = vector.shape_cast %mul3A_445 : vector<16xf32> to vector<1x16xf32>
      tpu.vector_store %arg6[%swap3A_446, %swap3A_447], %swap3A_450 {strides = array<i32>} : memref<512x128xf32, #tpu.memory_space<vmem>>, vector<1x16xf32>,
      %add3A_451 = arith.constant 192 : i32
      %add3A_452 = arith.addi %add3A_451, %scan3A_382 : i32
      %get3A_453 = arith.index_cast %add3A_452 : i32 to index
      %get3A_454 = arith.constant 80 : index
      %get3A_455 = tpu.vector_load %arg6[%get3A_453, %get3A_454] {strides = array<i32>} : memref<512x128xf32, #tpu.memory_space<vmem>>, vector<1x16xf32>,
      %get3A_456 = vector.shape_cast %get3A_455 : vector<1x16xf32> to vector<16xf32>
      %mul3A_457 = arith.constant 11.3137083 : f32
      %mul3A_458 = vector.broadcast %mul3A_457 : f32 to vector<16xf32>
      %mul3A_459 = arith.mulf %get3A_456, %mul3A_458 : vector<16xf32>
      %swap3A_460 = arith.index_cast %add3A_452 : i32 to index
      %swap3A_461 = arith.constant 80 : index
      %swap3A_462 = tpu.vector_load %arg6[%swap3A_460, %swap3A_461] {strides = array<i32>} : memref<512x128xf32, #tpu.memory_space<vmem>>, vector<1x16xf32>,
      %swap3A_463 = vector.shape_cast %swap3A_462 : vector<1x16xf32> to vector<16xf32>
      %swap3A_464 = vector.shape_cast %mul3A_459 : vector<16xf32> to vector<1x16xf32>
      tpu.vector_store %arg6[%swap3A_460, %swap3A_461], %swap3A_464 {strides = array<i32>} : memref<512x128xf32, #tpu.memory_space<vmem>>, vector<1x16xf32>,
      %add3A_465 = arith.constant 192 : i32
      %add3A_466 = arith.addi %add3A_465, %scan3A_382 : i32
      %get3A_467 = arith.index_cast %add3A_466 : i32 to index
      %get3A_468 = arith.constant 96 : index
      %get3A_469 = tpu.vector_load %arg6[%get3A_467, %get3A_468] {strides = array<i32>} : memref<512x128xf32, #tpu.memory_space<vmem>>, vector<1x16xf32>,
      %get3A_470 = vector.shape_cast %get3A_469 : vector<1x16xf32> to vector<16xf32>
      %mul3A_471 = arith.constant 11.3137083 : f32
      %mul3A_472 = vector.broadcast %mul3A_471 : f32 to vector<16xf32>
      %mul3A_473 = arith.mulf %get3A_470, %mul3A_472 : vector<16xf32>
      %swap3A_474 = arith.index_cast %add3A_466 : i32 to index
      %swap3A_475 = arith.constant 96 : index
      %swap3A_476 = tpu.vector_load %arg6[%swap3A_474, %swap3A_475] {strides = array<i32>} : memref<512x128xf32, #tpu.memory_space<vmem>>, vector<1x16xf32>,
      %swap3A_477 = vector.shape_cast %swap3A_476 : vector<1x16xf32> to vector<16xf32>
      %swap3A_478 = vector.shape_cast %mul3A_473 : vector<16xf32> to vector<1x16xf32>
      tpu.vector_store %arg6[%swap3A_474, %swap3A_475], %swap3A_478 {strides = array<i32>} : memref<512x128xf32, #tpu.memory_space<vmem>>, vector<1x16xf32>,
      %add3A_479 = arith.constant 192 : i32
      %add3A_480 = arith.addi %add3A_479, %scan3A_382 : i32
      %get3A_481 = arith.index_cast %add3A_480 : i32 to index
      %get3A_482 = arith.constant 112 : index
      %get3A_483 = tpu.vector_load %arg6[%get3A_481, %get3A_482] {strides = array<i32>} : memref<512x128xf32, #tpu.memory_space<vmem>>, vector<1x16xf32>,
      %get3A_484 = vector.shape_cast %get3A_483 : vector<1x16xf32> to vector<16xf32>
      %mul3A_485 = arith.constant 11.3137083 : f32
      %mul3A_486 = vector.broadcast %mul3A_485 : f32 to vector<16xf32>
      %mul3A_487 = arith.mulf %get3A_484, %mul3A_486 : vector<16xf32>
      %swap3A_488 = arith.index_cast %add3A_480 : i32 to index
      %swap3A_489 = arith.constant 112 : index
      %swap3A_490 = tpu.vector_load %arg6[%swap3A_488, %swap3A_489] {strides = array<i32>} : memref<512x128xf32, #tpu.memory_space<vmem>>, vector<1x16xf32>,
      %swap3A_491 = vector.shape_cast %swap3A_490 : vector<1x16xf32> to vector<16xf32>
      %swap3A_492 = vector.shape_cast %mul3A_487 : vector<16xf32> to vector<1x16xf32>
      tpu.vector_store %arg6[%swap3A_488, %swap3A_489], %swap3A_492 {strides = array<i32>} : memref<512x128xf32, #tpu.memory_space<vmem>>, vector<1x16xf32>,
    }
    %scan3A_185 = arith.constant 64 : i32
    %add3A_186 = arith.constant 192 : i32
    %add3A_187 = arith.addi %mul3A_2, %add3A_186 : i32
    %dma_start3A_188 = arith.constant 192 : i32
    %dma_start3A_189 = arith.constant 0 : i32
    %dma_start3A_190 = tpu.memref_slice %arg6[%dma_start3A_188, %dma_start3A_189] : memref<512x128xf32, #tpu.memory_space<vmem>> -> memref<64x128xf32, #tpu.memory_space<vmem>>
    %dma_start3A_191 = arith.constant 0 : i32
    %dma_start3A_192 = tpu.memref_slice %arg4[%add3A_187, %dma_start3A_191] : memref<16384x128xf32, #tpu.memory_space<hbm>> -> memref<64x128xf32, #tpu.memory_space<hbm>>
    %dma_start3A_193 = arith.constant 0 : i32
    %dma_start3A_194 = tpu.memref_slice %arg4[%add3A_187, %dma_start3A_193] : memref<16384x128xf32, #tpu.memory_space<hbm>> -> memref<64x128xf32, #tpu.memory_space<hbm>>
    %dma_start3A_195 = arith.constant 192 : i32
    %dma_start3A_196 = arith.constant 0 : i32
    %dma_start3A_197 = tpu.memref_slice %arg6[%dma_start3A_195, %dma_start3A_196] : memref<512x128xf32, #tpu.memory_space<vmem>> -> memref<64x128xf32, #tpu.memory_space<vmem>>
    tpu.enqueue_dma source(%dma_start3A_197 : memref<64x128xf32, #tpu.memory_space<vmem>>) target(%dma_start3A_194 : memref<64x128xf32, #tpu.memory_space<hbm>>) target_semaphore(%arg15 : memref<!tpu.dma_semaphore, #tpu.memory_space<semaphore_mem>>)
    %dma_wait3A_198 = arith.constant 256 : i32
    %dma_wait3A_199 = arith.constant 0 : i32
    %dma_wait3A_200 = tpu.memref_slice %arg6[%dma_wait3A_198, %dma_wait3A_199] : memref<512x128xf32, #tpu.memory_space<vmem>> -> memref<64x128xf32, #tpu.memory_space<vmem>>
    %dma_wait3A_201 = arith.constant 256 : i32
    %dma_wait3A_202 = tpu.memref_slice %arg5[%dma_wait3A_201] : memref<512xi32, #tpu.memory_space<vmem>> -> memref<64xi32, #tpu.memory_space<vmem>>
    %dma_wait3A_203 = arith.constant 0 : i32
    %dma_wait3A_204 = arith.constant 0 : i32
    %dma_wait3A_205 = tpu.memref_slice %arg3[%dma_wait3A_203, %dma_wait3A_204] : memref<100000x128xf32, #tpu.memory_space<hbm>> -> memref<100000x128xf32, #tpu.memory_space<hbm>>
    tpu.wait_indirect_dma semaphore(%arg11 : memref<!tpu.dma_semaphore, #tpu.memory_space<semaphore_mem>>) src(%dma_wait3A_205 : memref<100000x128xf32, #tpu.memory_space<hbm>>) dst(%dma_wait3A_200 : memref<64x128xf32, #tpu.memory_space<vmem>>)
    %scan3A_206 = arith.constant 0 : i32
    %scan3A_207 = arith.constant 0 : i32
    %scan3A_208 = arith.constant 64 : i32
    %scan3A_209 = arith.addi %scan3A_207, %scan3A_208 : i32
    %scan3A_210 = arith.constant 1 : i32
    scf.for %scan3A_382 = %scan3A_207 to %scan3A_209 step %scan3A_210  : i32 {
      %add3A_383 = arith.constant 256 : i32
      %add3A_384 = arith.addi %add3A_383, %scan3A_382 : i32
      %get3A = arith.index_cast %add3A_384 : i32 to index
      %get3A_385 = arith.constant 0 : index
      %get3A_386 = tpu.vector_load %arg6[%get3A, %get3A_385] {strides = array<i32>} : memref<512x128xf32, #tpu.memory_space<vmem>>, vector<1x16xf32>,
      %get3A_387 = vector.shape_cast %get3A_386 : vector<1x16xf32> to vector<16xf32>
      %mul3A_388 = arith.constant 11.3137083 : f32
      %mul3A_389 = vector.broadcast %mul3A_388 : f32 to vector<16xf32>
      %mul3A_390 = arith.mulf %get3A_387, %mul3A_389 : vector<16xf32>
      %swap3A = arith.index_cast %add3A_384 : i32 to index
      %swap3A_391 = arith.constant 0 : index
      %swap3A_392 = tpu.vector_load %arg6[%swap3A, %swap3A_391] {strides = array<i32>} : memref<512x128xf32, #tpu.memory_space<vmem>>, vector<1x16xf32>,
      %swap3A_393 = vector.shape_cast %swap3A_392 : vector<1x16xf32> to vector<16xf32>
      %swap3A_394 = vector.shape_cast %mul3A_390 : vector<16xf32> to vector<1x16xf32>
      tpu.vector_store %arg6[%swap3A, %swap3A_391], %swap3A_394 {strides = array<i32>} : memref<512x128xf32, #tpu.memory_space<vmem>>, vector<1x16xf32>,
      %add3A_395 = arith.constant 256 : i32
      %add3A_396 = arith.addi %add3A_395, %scan3A_382 : i32
      %get3A_397 = arith.index_cast %add3A_396 : i32 to index
      %get3A_398 = arith.constant 16 : index
      %get3A_399 = tpu.vector_load %arg6[%get3A_397, %get3A_398] {strides = array<i32>} : memref<512x128xf32, #tpu.memory_space<vmem>>, vector<1x16xf32>,
      %get3A_400 = vector.shape_cast %get3A_399 : vector<1x16xf32> to vector<16xf32>
      %mul3A_401 = arith.constant 11.3137083 : f32
      %mul3A_402 = vector.broadcast %mul3A_401 : f32 to vector<16xf32>
      %mul3A_403 = arith.mulf %get3A_400, %mul3A_402 : vector<16xf32>
      %swap3A_404 = arith.index_cast %add3A_396 : i32 to index
      %swap3A_405 = arith.constant 16 : index
      %swap3A_406 = tpu.vector_load %arg6[%swap3A_404, %swap3A_405] {strides = array<i32>} : memref<512x128xf32, #tpu.memory_space<vmem>>, vector<1x16xf32>,
      %swap3A_407 = vector.shape_cast %swap3A_406 : vector<1x16xf32> to vector<16xf32>
      %swap3A_408 = vector.shape_cast %mul3A_403 : vector<16xf32> to vector<1x16xf32>
      tpu.vector_store %arg6[%swap3A_404, %swap3A_405], %swap3A_408 {strides = array<i32>} : memref<512x128xf32, #tpu.memory_space<vmem>>, vector<1x16xf32>,
      %add3A_409 = arith.constant 256 : i32
      %add3A_410 = arith.addi %add3A_409, %scan3A_382 : i32
      %get3A_411 = arith.index_cast %add3A_410 : i32 to index
      %get3A_412 = arith.constant 32 : index
      %get3A_413 = tpu.vector_load %arg6[%get3A_411, %get3A_412] {strides = array<i32>} : memref<512x128xf32, #tpu.memory_space<vmem>>, vector<1x16xf32>,
      %get3A_414 = vector.shape_cast %get3A_413 : vector<1x16xf32> to vector<16xf32>
      %mul3A_415 = arith.constant 11.3137083 : f32
      %mul3A_416 = vector.broadcast %mul3A_415 : f32 to vector<16xf32>
      %mul3A_417 = arith.mulf %get3A_414, %mul3A_416 : vector<16xf32>
      %swap3A_418 = arith.index_cast %add3A_410 : i32 to index
      %swap3A_419 = arith.constant 32 : index
      %swap3A_420 = tpu.vector_load %arg6[%swap3A_418, %swap3A_419] {strides = array<i32>} : memref<512x128xf32, #tpu.memory_space<vmem>>, vector<1x16xf32>,
      %swap3A_421 = vector.shape_cast %swap3A_420 : vector<1x16xf32> to vector<16xf32>
      %swap3A_422 = vector.shape_cast %mul3A_417 : vector<16xf32> to vector<1x16xf32>
      tpu.vector_store %arg6[%swap3A_418, %swap3A_419], %swap3A_422 {strides = array<i32>} : memref<512x128xf32, #tpu.memory_space<vmem>>, vector<1x16xf32>,
      %add3A_423 = arith.constant 256 : i32
      %add3A_424 = arith.addi %add3A_423, %scan3A_382 : i32
      %get3A_425 = arith.index_cast %add3A_424 : i32 to index
      %get3A_426 = arith.constant 48 : index
      %get3A_427 = tpu.vector_load %arg6[%get3A_425, %get3A_426] {strides = array<i32>} : memref<512x128xf32, #tpu.memory_space<vmem>>, vector<1x16xf32>,
      %get3A_428 = vector.shape_cast %get3A_427 : vector<1x16xf32> to vector<16xf32>
      %mul3A_429 = arith.constant 11.3137083 : f32
      %mul3A_430 = vector.broadcast %mul3A_429 : f32 to vector<16xf32>
      %mul3A_431 = arith.mulf %get3A_428, %mul3A_430 : vector<16xf32>
      %swap3A_432 = arith.index_cast %add3A_424 : i32 to index
      %swap3A_433 = arith.constant 48 : index
      %swap3A_434 = tpu.vector_load %arg6[%swap3A_432, %swap3A_433] {strides = array<i32>} : memref<512x128xf32, #tpu.memory_space<vmem>>, vector<1x16xf32>,
      %swap3A_435 = vector.shape_cast %swap3A_434 : vector<1x16xf32> to vector<16xf32>
      %swap3A_436 = vector.shape_cast %mul3A_431 : vector<16xf32> to vector<1x16xf32>
      tpu.vector_store %arg6[%swap3A_432, %swap3A_433], %swap3A_436 {strides = array<i32>} : memref<512x128xf32, #tpu.memory_space<vmem>>, vector<1x16xf32>,
      %add3A_437 = arith.constant 256 : i32
      %add3A_438 = arith.addi %add3A_437, %scan3A_382 : i32
      %get3A_439 = arith.index_cast %add3A_438 : i32 to index
      %get3A_440 = arith.constant 64 : index
      %get3A_441 = tpu.vector_load %arg6[%get3A_439, %get3A_440] {strides = array<i32>} : memref<512x128xf32, #tpu.memory_space<vmem>>, vector<1x16xf32>,
      %get3A_442 = vector.shape_cast %get3A_441 : vector<1x16xf32> to vector<16xf32>
      %mul3A_443 = arith.constant 11.3137083 : f32
      %mul3A_444 = vector.broadcast %mul3A_443 : f32 to vector<16xf32>
      %mul3A_445 = arith.mulf %get3A_442, %mul3A_444 : vector<16xf32>
      %swap3A_446 = arith.index_cast %add3A_438 : i32 to index
      %swap3A_447 = arith.constant 64 : index
      %swap3A_448 = tpu.vector_load %arg6[%swap3A_446, %swap3A_447] {strides = array<i32>} : memref<512x128xf32, #tpu.memory_space<vmem>>, vector<1x16xf32>,
      %swap3A_449 = vector.shape_cast %swap3A_448 : vector<1x16xf32> to vector<16xf32>
      %swap3A_450 = vector.shape_cast %mul3A_445 : vector<16xf32> to vector<1x16xf32>
      tpu.vector_store %arg6[%swap3A_446, %swap3A_447], %swap3A_450 {strides = array<i32>} : memref<512x128xf32, #tpu.memory_space<vmem>>, vector<1x16xf32>,
      %add3A_451 = arith.constant 256 : i32
      %add3A_452 = arith.addi %add3A_451, %scan3A_382 : i32
      %get3A_453 = arith.index_cast %add3A_452 : i32 to index
      %get3A_454 = arith.constant 80 : index
      %get3A_455 = tpu.vector_load %arg6[%get3A_453, %get3A_454] {strides = array<i32>} : memref<512x128xf32, #tpu.memory_space<vmem>>, vector<1x16xf32>,
      %get3A_456 = vector.shape_cast %get3A_455 : vector<1x16xf32> to vector<16xf32>
      %mul3A_457 = arith.constant 11.3137083 : f32
      %mul3A_458 = vector.broadcast %mul3A_457 : f32 to vector<16xf32>
      %mul3A_459 = arith.mulf %get3A_456, %mul3A_458 : vector<16xf32>
      %swap3A_460 = arith.index_cast %add3A_452 : i32 to index
      %swap3A_461 = arith.constant 80 : index
      %swap3A_462 = tpu.vector_load %arg6[%swap3A_460, %swap3A_461] {strides = array<i32>} : memref<512x128xf32, #tpu.memory_space<vmem>>, vector<1x16xf32>,
      %swap3A_463 = vector.shape_cast %swap3A_462 : vector<1x16xf32> to vector<16xf32>
      %swap3A_464 = vector.shape_cast %mul3A_459 : vector<16xf32> to vector<1x16xf32>
      tpu.vector_store %arg6[%swap3A_460, %swap3A_461], %swap3A_464 {strides = array<i32>} : memref<512x128xf32, #tpu.memory_space<vmem>>, vector<1x16xf32>,
      %add3A_465 = arith.constant 256 : i32
      %add3A_466 = arith.addi %add3A_465, %scan3A_382 : i32
      %get3A_467 = arith.index_cast %add3A_466 : i32 to index
      %get3A_468 = arith.constant 96 : index
      %get3A_469 = tpu.vector_load %arg6[%get3A_467, %get3A_468] {strides = array<i32>} : memref<512x128xf32, #tpu.memory_space<vmem>>, vector<1x16xf32>,
      %get3A_470 = vector.shape_cast %get3A_469 : vector<1x16xf32> to vector<16xf32>
      %mul3A_471 = arith.constant 11.3137083 : f32
      %mul3A_472 = vector.broadcast %mul3A_471 : f32 to vector<16xf32>
      %mul3A_473 = arith.mulf %get3A_470, %mul3A_472 : vector<16xf32>
      %swap3A_474 = arith.index_cast %add3A_466 : i32 to index
      %swap3A_475 = arith.constant 96 : index
      %swap3A_476 = tpu.vector_load %arg6[%swap3A_474, %swap3A_475] {strides = array<i32>} : memref<512x128xf32, #tpu.memory_space<vmem>>, vector<1x16xf32>,
      %swap3A_477 = vector.shape_cast %swap3A_476 : vector<1x16xf32> to vector<16xf32>
      %swap3A_478 = vector.shape_cast %mul3A_473 : vector<16xf32> to vector<1x16xf32>
      tpu.vector_store %arg6[%swap3A_474, %swap3A_475], %swap3A_478 {strides = array<i32>} : memref<512x128xf32, #tpu.memory_space<vmem>>, vector<1x16xf32>,
      %add3A_479 = arith.constant 256 : i32
      %add3A_480 = arith.addi %add3A_479, %scan3A_382 : i32
      %get3A_481 = arith.index_cast %add3A_480 : i32 to index
      %get3A_482 = arith.constant 112 : index
      %get3A_483 = tpu.vector_load %arg6[%get3A_481, %get3A_482] {strides = array<i32>} : memref<512x128xf32, #tpu.memory_space<vmem>>, vector<1x16xf32>,
      %get3A_484 = vector.shape_cast %get3A_483 : vector<1x16xf32> to vector<16xf32>
      %mul3A_485 = arith.constant 11.3137083 : f32
      %mul3A_486 = vector.broadcast %mul3A_485 : f32 to vector<16xf32>
      %mul3A_487 = arith.mulf %get3A_484, %mul3A_486 : vector<16xf32>
      %swap3A_488 = arith.index_cast %add3A_480 : i32 to index
      %swap3A_489 = arith.constant 112 : index
      %swap3A_490 = tpu.vector_load %arg6[%swap3A_488, %swap3A_489] {strides = array<i32>} : memref<512x128xf32, #tpu.memory_space<vmem>>, vector<1x16xf32>,
      %swap3A_491 = vector.shape_cast %swap3A_490 : vector<1x16xf32> to vector<16xf32>
      %swap3A_492 = vector.shape_cast %mul3A_487 : vector<16xf32> to vector<1x16xf32>
      tpu.vector_store %arg6[%swap3A_488, %swap3A_489], %swap3A_492 {strides = array<i32>} : memref<512x128xf32, #tpu.memory_space<vmem>>, vector<1x16xf32>,
    }
    %scan3A_211 = arith.constant 64 : i32
    %add3A_212 = arith.constant 256 : i32
    %add3A_213 = arith.addi %mul3A_2, %add3A_212 : i32
    %dma_start3A_214 = arith.constant 256 : i32
    %dma_start3A_215 = arith.constant 0 : i32
    %dma_start3A_216 = tpu.memref_slice %arg6[%dma_start3A_214, %dma_start3A_215] : memref<512x128xf32, #tpu.memory_space<vmem>> -> memref<64x128xf32, #tpu.memory_space<vmem>>
    %dma_start3A_217 = arith.constant 0 : i32
    %dma_start3A_218 = tpu.memref_slice %arg4[%add3A_213, %dma_start3A_217] : memref<16384x128xf32, #tpu.memory_space<hbm>> -> memref<64x128xf32, #tpu.memory_space<hbm>>
    %dma_start3A_219 = arith.constant 0 : i32
    %dma_start3A_220 = tpu.memref_slice %arg4[%add3A_213, %dma_start3A_219] : memref<16384x128xf32, #tpu.memory_space<hbm>> -> memref<64x128xf32, #tpu.memory_space<hbm>>
    %dma_start3A_221 = arith.constant 256 : i32
    %dma_start3A_222 = arith.constant 0 : i32
    %dma_start3A_223 = tpu.memref_slice %arg6[%dma_start3A_221, %dma_start3A_222] : memref<512x128xf32, #tpu.memory_space<vmem>> -> memref<64x128xf32, #tpu.memory_space<vmem>>
    tpu.enqueue_dma source(%dma_start3A_223 : memref<64x128xf32, #tpu.memory_space<vmem>>) target(%dma_start3A_220 : memref<64x128xf32, #tpu.memory_space<hbm>>) target_semaphore(%arg15 : memref<!tpu.dma_semaphore, #tpu.memory_space<semaphore_mem>>)
    %dma_wait3A_224 = arith.constant 320 : i32
    %dma_wait3A_225 = arith.constant 0 : i32
    %dma_wait3A_226 = tpu.memref_slice %arg6[%dma_wait3A_224, %dma_wait3A_225] : memref<512x128xf32, #tpu.memory_space<vmem>> -> memref<64x128xf32, #tpu.memory_space<vmem>>
    %dma_wait3A_227 = arith.constant 320 : i32
    %dma_wait3A_228 = tpu.memref_slice %arg5[%dma_wait3A_227] : memref<512xi32, #tpu.memory_space<vmem>> -> memref<64xi32, #tpu.memory_space<vmem>>
    %dma_wait3A_229 = arith.constant 0 : i32
    %dma_wait3A_230 = arith.constant 0 : i32
    %dma_wait3A_231 = tpu.memref_slice %arg3[%dma_wait3A_229, %dma_wait3A_230] : memref<100000x128xf32, #tpu.memory_space<hbm>> -> memref<100000x128xf32, #tpu.memory_space<hbm>>
    tpu.wait_indirect_dma semaphore(%arg12 : memref<!tpu.dma_semaphore, #tpu.memory_space<semaphore_mem>>) src(%dma_wait3A_231 : memref<100000x128xf32, #tpu.memory_space<hbm>>) dst(%dma_wait3A_226 : memref<64x128xf32, #tpu.memory_space<vmem>>)
    %scan3A_232 = arith.constant 0 : i32
    %scan3A_233 = arith.constant 0 : i32
    %scan3A_234 = arith.constant 64 : i32
    %scan3A_235 = arith.addi %scan3A_233, %scan3A_234 : i32
    %scan3A_236 = arith.constant 1 : i32
    scf.for %scan3A_382 = %scan3A_233 to %scan3A_235 step %scan3A_236  : i32 {
      %add3A_383 = arith.constant 320 : i32
      %add3A_384 = arith.addi %add3A_383, %scan3A_382 : i32
      %get3A = arith.index_cast %add3A_384 : i32 to index
      %get3A_385 = arith.constant 0 : index
      %get3A_386 = tpu.vector_load %arg6[%get3A, %get3A_385] {strides = array<i32>} : memref<512x128xf32, #tpu.memory_space<vmem>>, vector<1x16xf32>,
      %get3A_387 = vector.shape_cast %get3A_386 : vector<1x16xf32> to vector<16xf32>
      %mul3A_388 = arith.constant 11.3137083 : f32
      %mul3A_389 = vector.broadcast %mul3A_388 : f32 to vector<16xf32>
      %mul3A_390 = arith.mulf %get3A_387, %mul3A_389 : vector<16xf32>
      %swap3A = arith.index_cast %add3A_384 : i32 to index
      %swap3A_391 = arith.constant 0 : index
      %swap3A_392 = tpu.vector_load %arg6[%swap3A, %swap3A_391] {strides = array<i32>} : memref<512x128xf32, #tpu.memory_space<vmem>>, vector<1x16xf32>,
      %swap3A_393 = vector.shape_cast %swap3A_392 : vector<1x16xf32> to vector<16xf32>
      %swap3A_394 = vector.shape_cast %mul3A_390 : vector<16xf32> to vector<1x16xf32>
      tpu.vector_store %arg6[%swap3A, %swap3A_391], %swap3A_394 {strides = array<i32>} : memref<512x128xf32, #tpu.memory_space<vmem>>, vector<1x16xf32>,
      %add3A_395 = arith.constant 320 : i32
      %add3A_396 = arith.addi %add3A_395, %scan3A_382 : i32
      %get3A_397 = arith.index_cast %add3A_396 : i32 to index
      %get3A_398 = arith.constant 16 : index
      %get3A_399 = tpu.vector_load %arg6[%get3A_397, %get3A_398] {strides = array<i32>} : memref<512x128xf32, #tpu.memory_space<vmem>>, vector<1x16xf32>,
      %get3A_400 = vector.shape_cast %get3A_399 : vector<1x16xf32> to vector<16xf32>
      %mul3A_401 = arith.constant 11.3137083 : f32
      %mul3A_402 = vector.broadcast %mul3A_401 : f32 to vector<16xf32>
      %mul3A_403 = arith.mulf %get3A_400, %mul3A_402 : vector<16xf32>
      %swap3A_404 = arith.index_cast %add3A_396 : i32 to index
      %swap3A_405 = arith.constant 16 : index
      %swap3A_406 = tpu.vector_load %arg6[%swap3A_404, %swap3A_405] {strides = array<i32>} : memref<512x128xf32, #tpu.memory_space<vmem>>, vector<1x16xf32>,
      %swap3A_407 = vector.shape_cast %swap3A_406 : vector<1x16xf32> to vector<16xf32>
      %swap3A_408 = vector.shape_cast %mul3A_403 : vector<16xf32> to vector<1x16xf32>
      tpu.vector_store %arg6[%swap3A_404, %swap3A_405], %swap3A_408 {strides = array<i32>} : memref<512x128xf32, #tpu.memory_space<vmem>>, vector<1x16xf32>,
      %add3A_409 = arith.constant 320 : i32
      %add3A_410 = arith.addi %add3A_409, %scan3A_382 : i32
      %get3A_411 = arith.index_cast %add3A_410 : i32 to index
      %get3A_412 = arith.constant 32 : index
      %get3A_413 = tpu.vector_load %arg6[%get3A_411, %get3A_412] {strides = array<i32>} : memref<512x128xf32, #tpu.memory_space<vmem>>, vector<1x16xf32>,
      %get3A_414 = vector.shape_cast %get3A_413 : vector<1x16xf32> to vector<16xf32>
      %mul3A_415 = arith.constant 11.3137083 : f32
      %mul3A_416 = vector.broadcast %mul3A_415 : f32 to vector<16xf32>
      %mul3A_417 = arith.mulf %get3A_414, %mul3A_416 : vector<16xf32>
      %swap3A_418 = arith.index_cast %add3A_410 : i32 to index
      %swap3A_419 = arith.constant 32 : index
      %swap3A_420 = tpu.vector_load %arg6[%swap3A_418, %swap3A_419] {strides = array<i32>} : memref<512x128xf32, #tpu.memory_space<vmem>>, vector<1x16xf32>,
      %swap3A_421 = vector.shape_cast %swap3A_420 : vector<1x16xf32> to vector<16xf32>
      %swap3A_422 = vector.shape_cast %mul3A_417 : vector<16xf32> to vector<1x16xf32>
      tpu.vector_store %arg6[%swap3A_418, %swap3A_419], %swap3A_422 {strides = array<i32>} : memref<512x128xf32, #tpu.memory_space<vmem>>, vector<1x16xf32>,
      %add3A_423 = arith.constant 320 : i32
      %add3A_424 = arith.addi %add3A_423, %scan3A_382 : i32
      %get3A_425 = arith.index_cast %add3A_424 : i32 to index
      %get3A_426 = arith.constant 48 : index
      %get3A_427 = tpu.vector_load %arg6[%get3A_425, %get3A_426] {strides = array<i32>} : memref<512x128xf32, #tpu.memory_space<vmem>>, vector<1x16xf32>,
      %get3A_428 = vector.shape_cast %get3A_427 : vector<1x16xf32> to vector<16xf32>
      %mul3A_429 = arith.constant 11.3137083 : f32
      %mul3A_430 = vector.broadcast %mul3A_429 : f32 to vector<16xf32>
      %mul3A_431 = arith.mulf %get3A_428, %mul3A_430 : vector<16xf32>
      %swap3A_432 = arith.index_cast %add3A_424 : i32 to index
      %swap3A_433 = arith.constant 48 : index
      %swap3A_434 = tpu.vector_load %arg6[%swap3A_432, %swap3A_433] {strides = array<i32>} : memref<512x128xf32, #tpu.memory_space<vmem>>, vector<1x16xf32>,
      %swap3A_435 = vector.shape_cast %swap3A_434 : vector<1x16xf32> to vector<16xf32>
      %swap3A_436 = vector.shape_cast %mul3A_431 : vector<16xf32> to vector<1x16xf32>
      tpu.vector_store %arg6[%swap3A_432, %swap3A_433], %swap3A_436 {strides = array<i32>} : memref<512x128xf32, #tpu.memory_space<vmem>>, vector<1x16xf32>,
      %add3A_437 = arith.constant 320 : i32
      %add3A_438 = arith.addi %add3A_437, %scan3A_382 : i32
      %get3A_439 = arith.index_cast %add3A_438 : i32 to index
      %get3A_440 = arith.constant 64 : index
      %get3A_441 = tpu.vector_load %arg6[%get3A_439, %get3A_440] {strides = array<i32>} : memref<512x128xf32, #tpu.memory_space<vmem>>, vector<1x16xf32>,
      %get3A_442 = vector.shape_cast %get3A_441 : vector<1x16xf32> to vector<16xf32>
      %mul3A_443 = arith.constant 11.3137083 : f32
      %mul3A_444 = vector.broadcast %mul3A_443 : f32 to vector<16xf32>
      %mul3A_445 = arith.mulf %get3A_442, %mul3A_444 : vector<16xf32>
      %swap3A_446 = arith.index_cast %add3A_438 : i32 to index
      %swap3A_447 = arith.constant 64 : index
      %swap3A_448 = tpu.vector_load %arg6[%swap3A_446, %swap3A_447] {strides = array<i32>} : memref<512x128xf32, #tpu.memory_space<vmem>>, vector<1x16xf32>,
      %swap3A_449 = vector.shape_cast %swap3A_448 : vector<1x16xf32> to vector<16xf32>
      %swap3A_450 = vector.shape_cast %mul3A_445 : vector<16xf32> to vector<1x16xf32>
      tpu.vector_store %arg6[%swap3A_446, %swap3A_447], %swap3A_450 {strides = array<i32>} : memref<512x128xf32, #tpu.memory_space<vmem>>, vector<1x16xf32>,
      %add3A_451 = arith.constant 320 : i32
      %add3A_452 = arith.addi %add3A_451, %scan3A_382 : i32
      %get3A_453 = arith.index_cast %add3A_452 : i32 to index
      %get3A_454 = arith.constant 80 : index
      %get3A_455 = tpu.vector_load %arg6[%get3A_453, %get3A_454] {strides = array<i32>} : memref<512x128xf32, #tpu.memory_space<vmem>>, vector<1x16xf32>,
      %get3A_456 = vector.shape_cast %get3A_455 : vector<1x16xf32> to vector<16xf32>
      %mul3A_457 = arith.constant 11.3137083 : f32
      %mul3A_458 = vector.broadcast %mul3A_457 : f32 to vector<16xf32>
      %mul3A_459 = arith.mulf %get3A_456, %mul3A_458 : vector<16xf32>
      %swap3A_460 = arith.index_cast %add3A_452 : i32 to index
      %swap3A_461 = arith.constant 80 : index
      %swap3A_462 = tpu.vector_load %arg6[%swap3A_460, %swap3A_461] {strides = array<i32>} : memref<512x128xf32, #tpu.memory_space<vmem>>, vector<1x16xf32>,
      %swap3A_463 = vector.shape_cast %swap3A_462 : vector<1x16xf32> to vector<16xf32>
      %swap3A_464 = vector.shape_cast %mul3A_459 : vector<16xf32> to vector<1x16xf32>
      tpu.vector_store %arg6[%swap3A_460, %swap3A_461], %swap3A_464 {strides = array<i32>} : memref<512x128xf32, #tpu.memory_space<vmem>>, vector<1x16xf32>,
      %add3A_465 = arith.constant 320 : i32
      %add3A_466 = arith.addi %add3A_465, %scan3A_382 : i32
      %get3A_467 = arith.index_cast %add3A_466 : i32 to index
      %get3A_468 = arith.constant 96 : index
      %get3A_469 = tpu.vector_load %arg6[%get3A_467, %get3A_468] {strides = array<i32>} : memref<512x128xf32, #tpu.memory_space<vmem>>, vector<1x16xf32>,
      %get3A_470 = vector.shape_cast %get3A_469 : vector<1x16xf32> to vector<16xf32>
      %mul3A_471 = arith.constant 11.3137083 : f32
      %mul3A_472 = vector.broadcast %mul3A_471 : f32 to vector<16xf32>
      %mul3A_473 = arith.mulf %get3A_470, %mul3A_472 : vector<16xf32>
      %swap3A_474 = arith.index_cast %add3A_466 : i32 to index
      %swap3A_475 = arith.constant 96 : index
      %swap3A_476 = tpu.vector_load %arg6[%swap3A_474, %swap3A_475] {strides = array<i32>} : memref<512x128xf32, #tpu.memory_space<vmem>>, vector<1x16xf32>,
      %swap3A_477 = vector.shape_cast %swap3A_476 : vector<1x16xf32> to vector<16xf32>
      %swap3A_478 = vector.shape_cast %mul3A_473 : vector<16xf32> to vector<1x16xf32>
      tpu.vector_store %arg6[%swap3A_474, %swap3A_475], %swap3A_478 {strides = array<i32>} : memref<512x128xf32, #tpu.memory_space<vmem>>, vector<1x16xf32>,
      %add3A_479 = arith.constant 320 : i32
      %add3A_480 = arith.addi %add3A_479, %scan3A_382 : i32
      %get3A_481 = arith.index_cast %add3A_480 : i32 to index
      %get3A_482 = arith.constant 112 : index
      %get3A_483 = tpu.vector_load %arg6[%get3A_481, %get3A_482] {strides = array<i32>} : memref<512x128xf32, #tpu.memory_space<vmem>>, vector<1x16xf32>,
      %get3A_484 = vector.shape_cast %get3A_483 : vector<1x16xf32> to vector<16xf32>
      %mul3A_485 = arith.constant 11.3137083 : f32
      %mul3A_486 = vector.broadcast %mul3A_485 : f32 to vector<16xf32>
      %mul3A_487 = arith.mulf %get3A_484, %mul3A_486 : vector<16xf32>
      %swap3A_488 = arith.index_cast %add3A_480 : i32 to index
      %swap3A_489 = arith.constant 112 : index
      %swap3A_490 = tpu.vector_load %arg6[%swap3A_488, %swap3A_489] {strides = array<i32>} : memref<512x128xf32, #tpu.memory_space<vmem>>, vector<1x16xf32>,
      %swap3A_491 = vector.shape_cast %swap3A_490 : vector<1x16xf32> to vector<16xf32>
      %swap3A_492 = vector.shape_cast %mul3A_487 : vector<16xf32> to vector<1x16xf32>
      tpu.vector_store %arg6[%swap3A_488, %swap3A_489], %swap3A_492 {strides = array<i32>} : memref<512x128xf32, #tpu.memory_space<vmem>>, vector<1x16xf32>,
    }
    %scan3A_237 = arith.constant 64 : i32
    %add3A_238 = arith.constant 320 : i32
    %add3A_239 = arith.addi %mul3A_2, %add3A_238 : i32
    %dma_start3A_240 = arith.constant 320 : i32
    %dma_start3A_241 = arith.constant 0 : i32
    %dma_start3A_242 = tpu.memref_slice %arg6[%dma_start3A_240, %dma_start3A_241] : memref<512x128xf32, #tpu.memory_space<vmem>> -> memref<64x128xf32, #tpu.memory_space<vmem>>
    %dma_start3A_243 = arith.constant 0 : i32
    %dma_start3A_244 = tpu.memref_slice %arg4[%add3A_239, %dma_start3A_243] : memref<16384x128xf32, #tpu.memory_space<hbm>> -> memref<64x128xf32, #tpu.memory_space<hbm>>
    %dma_start3A_245 = arith.constant 0 : i32
    %dma_start3A_246 = tpu.memref_slice %arg4[%add3A_239, %dma_start3A_245] : memref<16384x128xf32, #tpu.memory_space<hbm>> -> memref<64x128xf32, #tpu.memory_space<hbm>>
    %dma_start3A_247 = arith.constant 320 : i32
    %dma_start3A_248 = arith.constant 0 : i32
    %dma_start3A_249 = tpu.memref_slice %arg6[%dma_start3A_247, %dma_start3A_248] : memref<512x128xf32, #tpu.memory_space<vmem>> -> memref<64x128xf32, #tpu.memory_space<vmem>>
    tpu.enqueue_dma source(%dma_start3A_249 : memref<64x128xf32, #tpu.memory_space<vmem>>) target(%dma_start3A_246 : memref<64x128xf32, #tpu.memory_space<hbm>>) target_semaphore(%arg15 : memref<!tpu.dma_semaphore, #tpu.memory_space<semaphore_mem>>)
    %dma_wait3A_250 = arith.constant 384 : i32
    %dma_wait3A_251 = arith.constant 0 : i32
    %dma_wait3A_252 = tpu.memref_slice %arg6[%dma_wait3A_250, %dma_wait3A_251] : memref<512x128xf32, #tpu.memory_space<vmem>> -> memref<64x128xf32, #tpu.memory_space<vmem>>
    %dma_wait3A_253 = arith.constant 384 : i32
    %dma_wait3A_254 = tpu.memref_slice %arg5[%dma_wait3A_253] : memref<512xi32, #tpu.memory_space<vmem>> -> memref<64xi32, #tpu.memory_space<vmem>>
    %dma_wait3A_255 = arith.constant 0 : i32
    %dma_wait3A_256 = arith.constant 0 : i32
    %dma_wait3A_257 = tpu.memref_slice %arg3[%dma_wait3A_255, %dma_wait3A_256] : memref<100000x128xf32, #tpu.memory_space<hbm>> -> memref<100000x128xf32, #tpu.memory_space<hbm>>
    tpu.wait_indirect_dma semaphore(%arg13 : memref<!tpu.dma_semaphore, #tpu.memory_space<semaphore_mem>>) src(%dma_wait3A_257 : memref<100000x128xf32, #tpu.memory_space<hbm>>) dst(%dma_wait3A_252 : memref<64x128xf32, #tpu.memory_space<vmem>>)
    %scan3A_258 = arith.constant 0 : i32
    %scan3A_259 = arith.constant 0 : i32
    %scan3A_260 = arith.constant 64 : i32
    %scan3A_261 = arith.addi %scan3A_259, %scan3A_260 : i32
    %scan3A_262 = arith.constant 1 : i32
    scf.for %scan3A_382 = %scan3A_259 to %scan3A_261 step %scan3A_262  : i32 {
      %add3A_383 = arith.constant 384 : i32
      %add3A_384 = arith.addi %add3A_383, %scan3A_382 : i32
      %get3A = arith.index_cast %add3A_384 : i32 to index
      %get3A_385 = arith.constant 0 : index
      %get3A_386 = tpu.vector_load %arg6[%get3A, %get3A_385] {strides = array<i32>} : memref<512x128xf32, #tpu.memory_space<vmem>>, vector<1x16xf32>,
      %get3A_387 = vector.shape_cast %get3A_386 : vector<1x16xf32> to vector<16xf32>
      %mul3A_388 = arith.constant 11.3137083 : f32
      %mul3A_389 = vector.broadcast %mul3A_388 : f32 to vector<16xf32>
      %mul3A_390 = arith.mulf %get3A_387, %mul3A_389 : vector<16xf32>
      %swap3A = arith.index_cast %add3A_384 : i32 to index
      %swap3A_391 = arith.constant 0 : index
      %swap3A_392 = tpu.vector_load %arg6[%swap3A, %swap3A_391] {strides = array<i32>} : memref<512x128xf32, #tpu.memory_space<vmem>>, vector<1x16xf32>,
      %swap3A_393 = vector.shape_cast %swap3A_392 : vector<1x16xf32> to vector<16xf32>
      %swap3A_394 = vector.shape_cast %mul3A_390 : vector<16xf32> to vector<1x16xf32>
      tpu.vector_store %arg6[%swap3A, %swap3A_391], %swap3A_394 {strides = array<i32>} : memref<512x128xf32, #tpu.memory_space<vmem>>, vector<1x16xf32>,
      %add3A_395 = arith.constant 384 : i32
      %add3A_396 = arith.addi %add3A_395, %scan3A_382 : i32
      %get3A_397 = arith.index_cast %add3A_396 : i32 to index
      %get3A_398 = arith.constant 16 : index
      %get3A_399 = tpu.vector_load %arg6[%get3A_397, %get3A_398] {strides = array<i32>} : memref<512x128xf32, #tpu.memory_space<vmem>>, vector<1x16xf32>,
      %get3A_400 = vector.shape_cast %get3A_399 : vector<1x16xf32> to vector<16xf32>
      %mul3A_401 = arith.constant 11.3137083 : f32
      %mul3A_402 = vector.broadcast %mul3A_401 : f32 to vector<16xf32>
      %mul3A_403 = arith.mulf %get3A_400, %mul3A_402 : vector<16xf32>
      %swap3A_404 = arith.index_cast %add3A_396 : i32 to index
      %swap3A_405 = arith.constant 16 : index
      %swap3A_406 = tpu.vector_load %arg6[%swap3A_404, %swap3A_405] {strides = array<i32>} : memref<512x128xf32, #tpu.memory_space<vmem>>, vector<1x16xf32>,
      %swap3A_407 = vector.shape_cast %swap3A_406 : vector<1x16xf32> to vector<16xf32>
      %swap3A_408 = vector.shape_cast %mul3A_403 : vector<16xf32> to vector<1x16xf32>
      tpu.vector_store %arg6[%swap3A_404, %swap3A_405], %swap3A_408 {strides = array<i32>} : memref<512x128xf32, #tpu.memory_space<vmem>>, vector<1x16xf32>,
      %add3A_409 = arith.constant 384 : i32
      %add3A_410 = arith.addi %add3A_409, %scan3A_382 : i32
      %get3A_411 = arith.index_cast %add3A_410 : i32 to index
      %get3A_412 = arith.constant 32 : index
      %get3A_413 = tpu.vector_load %arg6[%get3A_411, %get3A_412] {strides = array<i32>} : memref<512x128xf32, #tpu.memory_space<vmem>>, vector<1x16xf32>,
      %get3A_414 = vector.shape_cast %get3A_413 : vector<1x16xf32> to vector<16xf32>
      %mul3A_415 = arith.constant 11.3137083 : f32
      %mul3A_416 = vector.broadcast %mul3A_415 : f32 to vector<16xf32>
      %mul3A_417 = arith.mulf %get3A_414, %mul3A_416 : vector<16xf32>
      %swap3A_418 = arith.index_cast %add3A_410 : i32 to index
      %swap3A_419 = arith.constant 32 : index
      %swap3A_420 = tpu.vector_load %arg6[%swap3A_418, %swap3A_419] {strides = array<i32>} : memref<512x128xf32, #tpu.memory_space<vmem>>, vector<1x16xf32>,
      %swap3A_421 = vector.shape_cast %swap3A_420 : vector<1x16xf32> to vector<16xf32>
      %swap3A_422 = vector.shape_cast %mul3A_417 : vector<16xf32> to vector<1x16xf32>
      tpu.vector_store %arg6[%swap3A_418, %swap3A_419], %swap3A_422 {strides = array<i32>} : memref<512x128xf32, #tpu.memory_space<vmem>>, vector<1x16xf32>,
      %add3A_423 = arith.constant 384 : i32
      %add3A_424 = arith.addi %add3A_423, %scan3A_382 : i32
      %get3A_425 = arith.index_cast %add3A_424 : i32 to index
      %get3A_426 = arith.constant 48 : index
      %get3A_427 = tpu.vector_load %arg6[%get3A_425, %get3A_426] {strides = array<i32>} : memref<512x128xf32, #tpu.memory_space<vmem>>, vector<1x16xf32>,
      %get3A_428 = vector.shape_cast %get3A_427 : vector<1x16xf32> to vector<16xf32>
      %mul3A_429 = arith.constant 11.3137083 : f32
      %mul3A_430 = vector.broadcast %mul3A_429 : f32 to vector<16xf32>
      %mul3A_431 = arith.mulf %get3A_428, %mul3A_430 : vector<16xf32>
      %swap3A_432 = arith.index_cast %add3A_424 : i32 to index
      %swap3A_433 = arith.constant 48 : index
      %swap3A_434 = tpu.vector_load %arg6[%swap3A_432, %swap3A_433] {strides = array<i32>} : memref<512x128xf32, #tpu.memory_space<vmem>>, vector<1x16xf32>,
      %swap3A_435 = vector.shape_cast %swap3A_434 : vector<1x16xf32> to vector<16xf32>
      %swap3A_436 = vector.shape_cast %mul3A_431 : vector<16xf32> to vector<1x16xf32>
      tpu.vector_store %arg6[%swap3A_432, %swap3A_433], %swap3A_436 {strides = array<i32>} : memref<512x128xf32, #tpu.memory_space<vmem>>, vector<1x16xf32>,
      %add3A_437 = arith.constant 384 : i32
      %add3A_438 = arith.addi %add3A_437, %scan3A_382 : i32
      %get3A_439 = arith.index_cast %add3A_438 : i32 to index
      %get3A_440 = arith.constant 64 : index
      %get3A_441 = tpu.vector_load %arg6[%get3A_439, %get3A_440] {strides = array<i32>} : memref<512x128xf32, #tpu.memory_space<vmem>>, vector<1x16xf32>,
      %get3A_442 = vector.shape_cast %get3A_441 : vector<1x16xf32> to vector<16xf32>
      %mul3A_443 = arith.constant 11.3137083 : f32
      %mul3A_444 = vector.broadcast %mul3A_443 : f32 to vector<16xf32>
      %mul3A_445 = arith.mulf %get3A_442, %mul3A_444 : vector<16xf32>
      %swap3A_446 = arith.index_cast %add3A_438 : i32 to index
      %swap3A_447 = arith.constant 64 : index
      %swap3A_448 = tpu.vector_load %arg6[%swap3A_446, %swap3A_447] {strides = array<i32>} : memref<512x128xf32, #tpu.memory_space<vmem>>, vector<1x16xf32>,
      %swap3A_449 = vector.shape_cast %swap3A_448 : vector<1x16xf32> to vector<16xf32>
      %swap3A_450 = vector.shape_cast %mul3A_445 : vector<16xf32> to vector<1x16xf32>
      tpu.vector_store %arg6[%swap3A_446, %swap3A_447], %swap3A_450 {strides = array<i32>} : memref<512x128xf32, #tpu.memory_space<vmem>>, vector<1x16xf32>,
      %add3A_451 = arith.constant 384 : i32
      %add3A_452 = arith.addi %add3A_451, %scan3A_382 : i32
      %get3A_453 = arith.index_cast %add3A_452 : i32 to index
      %get3A_454 = arith.constant 80 : index
      %get3A_455 = tpu.vector_load %arg6[%get3A_453, %get3A_454] {strides = array<i32>} : memref<512x128xf32, #tpu.memory_space<vmem>>, vector<1x16xf32>,
      %get3A_456 = vector.shape_cast %get3A_455 : vector<1x16xf32> to vector<16xf32>
      %mul3A_457 = arith.constant 11.3137083 : f32
      %mul3A_458 = vector.broadcast %mul3A_457 : f32 to vector<16xf32>
      %mul3A_459 = arith.mulf %get3A_456, %mul3A_458 : vector<16xf32>
      %swap3A_460 = arith.index_cast %add3A_452 : i32 to index
      %swap3A_461 = arith.constant 80 : index
      %swap3A_462 = tpu.vector_load %arg6[%swap3A_460, %swap3A_461] {strides = array<i32>} : memref<512x128xf32, #tpu.memory_space<vmem>>, vector<1x16xf32>,
      %swap3A_463 = vector.shape_cast %swap3A_462 : vector<1x16xf32> to vector<16xf32>
      %swap3A_464 = vector.shape_cast %mul3A_459 : vector<16xf32> to vector<1x16xf32>
      tpu.vector_store %arg6[%swap3A_460, %swap3A_461], %swap3A_464 {strides = array<i32>} : memref<512x128xf32, #tpu.memory_space<vmem>>, vector<1x16xf32>,
      %add3A_465 = arith.constant 384 : i32
      %add3A_466 = arith.addi %add3A_465, %scan3A_382 : i32
      %get3A_467 = arith.index_cast %add3A_466 : i32 to index
      %get3A_468 = arith.constant 96 : index
      %get3A_469 = tpu.vector_load %arg6[%get3A_467, %get3A_468] {strides = array<i32>} : memref<512x128xf32, #tpu.memory_space<vmem>>, vector<1x16xf32>,
      %get3A_470 = vector.shape_cast %get3A_469 : vector<1x16xf32> to vector<16xf32>
      %mul3A_471 = arith.constant 11.3137083 : f32
      %mul3A_472 = vector.broadcast %mul3A_471 : f32 to vector<16xf32>
      %mul3A_473 = arith.mulf %get3A_470, %mul3A_472 : vector<16xf32>
      %swap3A_474 = arith.index_cast %add3A_466 : i32 to index
      %swap3A_475 = arith.constant 96 : index
      %swap3A_476 = tpu.vector_load %arg6[%swap3A_474, %swap3A_475] {strides = array<i32>} : memref<512x128xf32, #tpu.memory_space<vmem>>, vector<1x16xf32>,
      %swap3A_477 = vector.shape_cast %swap3A_476 : vector<1x16xf32> to vector<16xf32>
      %swap3A_478 = vector.shape_cast %mul3A_473 : vector<16xf32> to vector<1x16xf32>
      tpu.vector_store %arg6[%swap3A_474, %swap3A_475], %swap3A_478 {strides = array<i32>} : memref<512x128xf32, #tpu.memory_space<vmem>>, vector<1x16xf32>,
      %add3A_479 = arith.constant 384 : i32
      %add3A_480 = arith.addi %add3A_479, %scan3A_382 : i32
      %get3A_481 = arith.index_cast %add3A_480 : i32 to index
      %get3A_482 = arith.constant 112 : index
      %get3A_483 = tpu.vector_load %arg6[%get3A_481, %get3A_482] {strides = array<i32>} : memref<512x128xf32, #tpu.memory_space<vmem>>, vector<1x16xf32>,
      %get3A_484 = vector.shape_cast %get3A_483 : vector<1x16xf32> to vector<16xf32>
      %mul3A_485 = arith.constant 11.3137083 : f32
      %mul3A_486 = vector.broadcast %mul3A_485 : f32 to vector<16xf32>
      %mul3A_487 = arith.mulf %get3A_484, %mul3A_486 : vector<16xf32>
      %swap3A_488 = arith.index_cast %add3A_480 : i32 to index
      %swap3A_489 = arith.constant 112 : index
      %swap3A_490 = tpu.vector_load %arg6[%swap3A_488, %swap3A_489] {strides = array<i32>} : memref<512x128xf32, #tpu.memory_space<vmem>>, vector<1x16xf32>,
      %swap3A_491 = vector.shape_cast %swap3A_490 : vector<1x16xf32> to vector<16xf32>
      %swap3A_492 = vector.shape_cast %mul3A_487 : vector<16xf32> to vector<1x16xf32>
      tpu.vector_store %arg6[%swap3A_488, %swap3A_489], %swap3A_492 {strides = array<i32>} : memref<512x128xf32, #tpu.memory_space<vmem>>, vector<1x16xf32>,
    }
    %scan3A_263 = arith.constant 64 : i32
    %add3A_264 = arith.constant 384 : i32
    %add3A_265 = arith.addi %mul3A_2, %add3A_264 : i32
    %dma_start3A_266 = arith.constant 384 : i32
    %dma_start3A_267 = arith.constant 0 : i32
    %dma_start3A_268 = tpu.memref_slice %arg6[%dma_start3A_266, %dma_start3A_267] : memref<512x128xf32, #tpu.memory_space<vmem>> -> memref<64x128xf32, #tpu.memory_space<vmem>>
    %dma_start3A_269 = arith.constant 0 : i32
    %dma_start3A_270 = tpu.memref_slice %arg4[%add3A_265, %dma_start3A_269] : memref<16384x128xf32, #tpu.memory_space<hbm>> -> memref<64x128xf32, #tpu.memory_space<hbm>>
    %dma_start3A_271 = arith.constant 0 : i32
    %dma_start3A_272 = tpu.memref_slice %arg4[%add3A_265, %dma_start3A_271] : memref<16384x128xf32, #tpu.memory_space<hbm>> -> memref<64x128xf32, #tpu.memory_space<hbm>>
    %dma_start3A_273 = arith.constant 384 : i32
    %dma_start3A_274 = arith.constant 0 : i32
    %dma_start3A_275 = tpu.memref_slice %arg6[%dma_start3A_273, %dma_start3A_274] : memref<512x128xf32, #tpu.memory_space<vmem>> -> memref<64x128xf32, #tpu.memory_space<vmem>>
    tpu.enqueue_dma source(%dma_start3A_275 : memref<64x128xf32, #tpu.memory_space<vmem>>) target(%dma_start3A_272 : memref<64x128xf32, #tpu.memory_space<hbm>>) target_semaphore(%arg15 : memref<!tpu.dma_semaphore, #tpu.memory_space<semaphore_mem>>)
    %dma_wait3A_276 = arith.constant 448 : i32
    %dma_wait3A_277 = arith.constant 0 : i32
    %dma_wait3A_278 = tpu.memref_slice %arg6[%dma_wait3A_276, %dma_wait3A_277] : memref<512x128xf32, #tpu.memory_space<vmem>> -> memref<64x128xf32, #tpu.memory_space<vmem>>
    %dma_wait3A_279 = arith.constant 448 : i32
    %dma_wait3A_280 = tpu.memref_slice %arg5[%dma_wait3A_279] : memref<512xi32, #tpu.memory_space<vmem>> -> memref<64xi32, #tpu.memory_space<vmem>>
    %dma_wait3A_281 = arith.constant 0 : i32
    %dma_wait3A_282 = arith.constant 0 : i32
    %dma_wait3A_283 = tpu.memref_slice %arg3[%dma_wait3A_281, %dma_wait3A_282] : memref<100000x128xf32, #tpu.memory_space<hbm>> -> memref<100000x128xf32, #tpu.memory_space<hbm>>
    tpu.wait_indirect_dma semaphore(%arg14 : memref<!tpu.dma_semaphore, #tpu.memory_space<semaphore_mem>>) src(%dma_wait3A_283 : memref<100000x128xf32, #tpu.memory_space<hbm>>) dst(%dma_wait3A_278 : memref<64x128xf32, #tpu.memory_space<vmem>>)
    %scan3A_284 = arith.constant 0 : i32
    %scan3A_285 = arith.constant 0 : i32
    %scan3A_286 = arith.constant 64 : i32
    %scan3A_287 = arith.addi %scan3A_285, %scan3A_286 : i32
    %scan3A_288 = arith.constant 1 : i32
    scf.for %scan3A_382 = %scan3A_285 to %scan3A_287 step %scan3A_288  : i32 {
      %add3A_383 = arith.constant 448 : i32
      %add3A_384 = arith.addi %add3A_383, %scan3A_382 : i32
      %get3A = arith.index_cast %add3A_384 : i32 to index
      %get3A_385 = arith.constant 0 : index
      %get3A_386 = tpu.vector_load %arg6[%get3A, %get3A_385] {strides = array<i32>} : memref<512x128xf32, #tpu.memory_space<vmem>>, vector<1x16xf32>,
      %get3A_387 = vector.shape_cast %get3A_386 : vector<1x16xf32> to vector<16xf32>
      %mul3A_388 = arith.constant 11.3137083 : f32
      %mul3A_389 = vector.broadcast %mul3A_388 : f32 to vector<16xf32>
      %mul3A_390 = arith.mulf %get3A_387, %mul3A_389 : vector<16xf32>
      %swap3A = arith.index_cast %add3A_384 : i32 to index
      %swap3A_391 = arith.constant 0 : index
      %swap3A_392 = tpu.vector_load %arg6[%swap3A, %swap3A_391] {strides = array<i32>} : memref<512x128xf32, #tpu.memory_space<vmem>>, vector<1x16xf32>,
      %swap3A_393 = vector.shape_cast %swap3A_392 : vector<1x16xf32> to vector<16xf32>
      %swap3A_394 = vector.shape_cast %mul3A_390 : vector<16xf32> to vector<1x16xf32>
      tpu.vector_store %arg6[%swap3A, %swap3A_391], %swap3A_394 {strides = array<i32>} : memref<512x128xf32, #tpu.memory_space<vmem>>, vector<1x16xf32>,
      %add3A_395 = arith.constant 448 : i32
      %add3A_396 = arith.addi %add3A_395, %scan3A_382 : i32
      %get3A_397 = arith.index_cast %add3A_396 : i32 to index
      %get3A_398 = arith.constant 16 : index
      %get3A_399 = tpu.vector_load %arg6[%get3A_397, %get3A_398] {strides = array<i32>} : memref<512x128xf32, #tpu.memory_space<vmem>>, vector<1x16xf32>,
      %get3A_400 = vector.shape_cast %get3A_399 : vector<1x16xf32> to vector<16xf32>
      %mul3A_401 = arith.constant 11.3137083 : f32
      %mul3A_402 = vector.broadcast %mul3A_401 : f32 to vector<16xf32>
      %mul3A_403 = arith.mulf %get3A_400, %mul3A_402 : vector<16xf32>
      %swap3A_404 = arith.index_cast %add3A_396 : i32 to index
      %swap3A_405 = arith.constant 16 : index
      %swap3A_406 = tpu.vector_load %arg6[%swap3A_404, %swap3A_405] {strides = array<i32>} : memref<512x128xf32, #tpu.memory_space<vmem>>, vector<1x16xf32>,
      %swap3A_407 = vector.shape_cast %swap3A_406 : vector<1x16xf32> to vector<16xf32>
      %swap3A_408 = vector.shape_cast %mul3A_403 : vector<16xf32> to vector<1x16xf32>
      tpu.vector_store %arg6[%swap3A_404, %swap3A_405], %swap3A_408 {strides = array<i32>} : memref<512x128xf32, #tpu.memory_space<vmem>>, vector<1x16xf32>,
      %add3A_409 = arith.constant 448 : i32
      %add3A_410 = arith.addi %add3A_409, %scan3A_382 : i32
      %get3A_411 = arith.index_cast %add3A_410 : i32 to index
      %get3A_412 = arith.constant 32 : index
      %get3A_413 = tpu.vector_load %arg6[%get3A_411, %get3A_412] {strides = array<i32>} : memref<512x128xf32, #tpu.memory_space<vmem>>, vector<1x16xf32>,
      %get3A_414 = vector.shape_cast %get3A_413 : vector<1x16xf32> to vector<16xf32>
      %mul3A_415 = arith.constant 11.3137083 : f32
      %mul3A_416 = vector.broadcast %mul3A_415 : f32 to vector<16xf32>
      %mul3A_417 = arith.mulf %get3A_414, %mul3A_416 : vector<16xf32>
      %swap3A_418 = arith.index_cast %add3A_410 : i32 to index
      %swap3A_419 = arith.constant 32 : index
      %swap3A_420 = tpu.vector_load %arg6[%swap3A_418, %swap3A_419] {strides = array<i32>} : memref<512x128xf32, #tpu.memory_space<vmem>>, vector<1x16xf32>,
      %swap3A_421 = vector.shape_cast %swap3A_420 : vector<1x16xf32> to vector<16xf32>
      %swap3A_422 = vector.shape_cast %mul3A_417 : vector<16xf32> to vector<1x16xf32>
      tpu.vector_store %arg6[%swap3A_418, %swap3A_419], %swap3A_422 {strides = array<i32>} : memref<512x128xf32, #tpu.memory_space<vmem>>, vector<1x16xf32>,
      %add3A_423 = arith.constant 448 : i32
      %add3A_424 = arith.addi %add3A_423, %scan3A_382 : i32
      %get3A_425 = arith.index_cast %add3A_424 : i32 to index
      %get3A_426 = arith.constant 48 : index
      %get3A_427 = tpu.vector_load %arg6[%get3A_425, %get3A_426] {strides = array<i32>} : memref<512x128xf32, #tpu.memory_space<vmem>>, vector<1x16xf32>,
      %get3A_428 = vector.shape_cast %get3A_427 : vector<1x16xf32> to vector<16xf32>
      %mul3A_429 = arith.constant 11.3137083 : f32
      %mul3A_430 = vector.broadcast %mul3A_429 : f32 to vector<16xf32>
      %mul3A_431 = arith.mulf %get3A_428, %mul3A_430 : vector<16xf32>
      %swap3A_432 = arith.index_cast %add3A_424 : i32 to index
      %swap3A_433 = arith.constant 48 : index
      %swap3A_434 = tpu.vector_load %arg6[%swap3A_432, %swap3A_433] {strides = array<i32>} : memref<512x128xf32, #tpu.memory_space<vmem>>, vector<1x16xf32>,
      %swap3A_435 = vector.shape_cast %swap3A_434 : vector<1x16xf32> to vector<16xf32>
      %swap3A_436 = vector.shape_cast %mul3A_431 : vector<16xf32> to vector<1x16xf32>
      tpu.vector_store %arg6[%swap3A_432, %swap3A_433], %swap3A_436 {strides = array<i32>} : memref<512x128xf32, #tpu.memory_space<vmem>>, vector<1x16xf32>,
      %add3A_437 = arith.constant 448 : i32
      %add3A_438 = arith.addi %add3A_437, %scan3A_382 : i32
      %get3A_439 = arith.index_cast %add3A_438 : i32 to index
      %get3A_440 = arith.constant 64 : index
      %get3A_441 = tpu.vector_load %arg6[%get3A_439, %get3A_440] {strides = array<i32>} : memref<512x128xf32, #tpu.memory_space<vmem>>, vector<1x16xf32>,
      %get3A_442 = vector.shape_cast %get3A_441 : vector<1x16xf32> to vector<16xf32>
      %mul3A_443 = arith.constant 11.3137083 : f32
      %mul3A_444 = vector.broadcast %mul3A_443 : f32 to vector<16xf32>
      %mul3A_445 = arith.mulf %get3A_442, %mul3A_444 : vector<16xf32>
      %swap3A_446 = arith.index_cast %add3A_438 : i32 to index
      %swap3A_447 = arith.constant 64 : index
      %swap3A_448 = tpu.vector_load %arg6[%swap3A_446, %swap3A_447] {strides = array<i32>} : memref<512x128xf32, #tpu.memory_space<vmem>>, vector<1x16xf32>,
      %swap3A_449 = vector.shape_cast %swap3A_448 : vector<1x16xf32> to vector<16xf32>
      %swap3A_450 = vector.shape_cast %mul3A_445 : vector<16xf32> to vector<1x16xf32>
      tpu.vector_store %arg6[%swap3A_446, %swap3A_447], %swap3A_450 {strides = array<i32>} : memref<512x128xf32, #tpu.memory_space<vmem>>, vector<1x16xf32>,
      %add3A_451 = arith.constant 448 : i32
      %add3A_452 = arith.addi %add3A_451, %scan3A_382 : i32
      %get3A_453 = arith.index_cast %add3A_452 : i32 to index
      %get3A_454 = arith.constant 80 : index
      %get3A_455 = tpu.vector_load %arg6[%get3A_453, %get3A_454] {strides = array<i32>} : memref<512x128xf32, #tpu.memory_space<vmem>>, vector<1x16xf32>,
      %get3A_456 = vector.shape_cast %get3A_455 : vector<1x16xf32> to vector<16xf32>
      %mul3A_457 = arith.constant 11.3137083 : f32
      %mul3A_458 = vector.broadcast %mul3A_457 : f32 to vector<16xf32>
      %mul3A_459 = arith.mulf %get3A_456, %mul3A_458 : vector<16xf32>
      %swap3A_460 = arith.index_cast %add3A_452 : i32 to index
      %swap3A_461 = arith.constant 80 : index
      %swap3A_462 = tpu.vector_load %arg6[%swap3A_460, %swap3A_461] {strides = array<i32>} : memref<512x128xf32, #tpu.memory_space<vmem>>, vector<1x16xf32>,
      %swap3A_463 = vector.shape_cast %swap3A_462 : vector<1x16xf32> to vector<16xf32>
      %swap3A_464 = vector.shape_cast %mul3A_459 : vector<16xf32> to vector<1x16xf32>
      tpu.vector_store %arg6[%swap3A_460, %swap3A_461], %swap3A_464 {strides = array<i32>} : memref<512x128xf32, #tpu.memory_space<vmem>>, vector<1x16xf32>,
      %add3A_465 = arith.constant 448 : i32
      %add3A_466 = arith.addi %add3A_465, %scan3A_382 : i32
      %get3A_467 = arith.index_cast %add3A_466 : i32 to index
      %get3A_468 = arith.constant 96 : index
      %get3A_469 = tpu.vector_load %arg6[%get3A_467, %get3A_468] {strides = array<i32>} : memref<512x128xf32, #tpu.memory_space<vmem>>, vector<1x16xf32>,
      %get3A_470 = vector.shape_cast %get3A_469 : vector<1x16xf32> to vector<16xf32>
      %mul3A_471 = arith.constant 11.3137083 : f32
      %mul3A_472 = vector.broadcast %mul3A_471 : f32 to vector<16xf32>
      %mul3A_473 = arith.mulf %get3A_470, %mul3A_472 : vector<16xf32>
      %swap3A_474 = arith.index_cast %add3A_466 : i32 to index
      %swap3A_475 = arith.constant 96 : index
      %swap3A_476 = tpu.vector_load %arg6[%swap3A_474, %swap3A_475] {strides = array<i32>} : memref<512x128xf32, #tpu.memory_space<vmem>>, vector<1x16xf32>,
      %swap3A_477 = vector.shape_cast %swap3A_476 : vector<1x16xf32> to vector<16xf32>
      %swap3A_478 = vector.shape_cast %mul3A_473 : vector<16xf32> to vector<1x16xf32>
      tpu.vector_store %arg6[%swap3A_474, %swap3A_475], %swap3A_478 {strides = array<i32>} : memref<512x128xf32, #tpu.memory_space<vmem>>, vector<1x16xf32>,
      %add3A_479 = arith.constant 448 : i32
      %add3A_480 = arith.addi %add3A_479, %scan3A_382 : i32
      %get3A_481 = arith.index_cast %add3A_480 : i32 to index
      %get3A_482 = arith.constant 112 : index
      %get3A_483 = tpu.vector_load %arg6[%get3A_481, %get3A_482] {strides = array<i32>} : memref<512x128xf32, #tpu.memory_space<vmem>>, vector<1x16xf32>,
      %get3A_484 = vector.shape_cast %get3A_483 : vector<1x16xf32> to vector<16xf32>
      %mul3A_485 = arith.constant 11.3137083 : f32
      %mul3A_486 = vector.broadcast %mul3A_485 : f32 to vector<16xf32>
      %mul3A_487 = arith.mulf %get3A_484, %mul3A_486 : vector<16xf32>
      %swap3A_488 = arith.index_cast %add3A_480 : i32 to index
      %swap3A_489 = arith.constant 112 : index
      %swap3A_490 = tpu.vector_load %arg6[%swap3A_488, %swap3A_489] {strides = array<i32>} : memref<512x128xf32, #tpu.memory_space<vmem>>, vector<1x16xf32>,
      %swap3A_491 = vector.shape_cast %swap3A_490 : vector<1x16xf32> to vector<16xf32>
      %swap3A_492 = vector.shape_cast %mul3A_487 : vector<16xf32> to vector<1x16xf32>
      tpu.vector_store %arg6[%swap3A_488, %swap3A_489], %swap3A_492 {strides = array<i32>} : memref<512x128xf32, #tpu.memory_space<vmem>>, vector<1x16xf32>,
    }
    %scan3A_289 = arith.constant 64 : i32
    %add3A_290 = arith.constant 448 : i32
    %add3A_291 = arith.addi %mul3A_2, %add3A_290 : i32
    %dma_start3A_292 = arith.constant 448 : i32
    %dma_start3A_293 = arith.constant 0 : i32
    %dma_start3A_294 = tpu.memref_slice %arg6[%dma_start3A_292, %dma_start3A_293] : memref<512x128xf32, #tpu.memory_space<vmem>> -> memref<64x128xf32, #tpu.memory_space<vmem>>
    %dma_start3A_295 = arith.constant 0 : i32
    %dma_start3A_296 = tpu.memref_slice %arg4[%add3A_291, %dma_start3A_295] : memref<16384x128xf32, #tpu.memory_space<hbm>> -> memref<64x128xf32, #tpu.memory_space<hbm>>
    %dma_start3A_297 = arith.constant 0 : i32
    %dma_start3A_298 = tpu.memref_slice %arg4[%add3A_291, %dma_start3A_297] : memref<16384x128xf32, #tpu.memory_space<hbm>> -> memref<64x128xf32, #tpu.memory_space<hbm>>
    %dma_start3A_299 = arith.constant 448 : i32
    %dma_start3A_300 = arith.constant 0 : i32
    %dma_start3A_301 = tpu.memref_slice %arg6[%dma_start3A_299, %dma_start3A_300] : memref<512x128xf32, #tpu.memory_space<vmem>> -> memref<64x128xf32, #tpu.memory_space<vmem>>
    tpu.enqueue_dma source(%dma_start3A_301 : memref<64x128xf32, #tpu.memory_space<vmem>>) target(%dma_start3A_298 : memref<64x128xf32, #tpu.memory_space<hbm>>) target_semaphore(%arg15 : memref<!tpu.dma_semaphore, #tpu.memory_space<semaphore_mem>>)
    %dma_wait3A_302 = arith.constant 0 : i32
    %dma_wait3A_303 = arith.constant 0 : i32
    %dma_wait3A_304 = tpu.memref_slice %arg6[%dma_wait3A_302, %dma_wait3A_303] : memref<512x128xf32, #tpu.memory_space<vmem>> -> memref<64x128xf32, #tpu.memory_space<vmem>>
    %dma_wait3A_305 = arith.constant 0 : i32
    %dma_wait3A_306 = tpu.memref_slice %arg4[%add3A_109, %dma_wait3A_305] : memref<16384x128xf32, #tpu.memory_space<hbm>> -> memref<64x128xf32, #tpu.memory_space<hbm>>
    %dma_wait3A_307 = arith.constant 0 : i32
    %dma_wait3A_308 = tpu.memref_slice %arg4[%add3A_109, %dma_wait3A_307] : memref<16384x128xf32, #tpu.memory_space<hbm>> -> memref<64x128xf32, #tpu.memory_space<hbm>>
    %dma_wait3A_309 = arith.constant 0 : i32
    %dma_wait3A_310 = arith.constant 0 : i32
    %dma_wait3A_311 = tpu.memref_slice %arg6[%dma_wait3A_309, %dma_wait3A_310] : memref<512x128xf32, #tpu.memory_space<vmem>> -> memref<64x128xf32, #tpu.memory_space<vmem>>
    tpu.wait_dma2 semaphore(%arg15 : memref<!tpu.dma_semaphore, #tpu.memory_space<semaphore_mem>>) src(%dma_wait3A_311 : memref<64x128xf32, #tpu.memory_space<vmem>>) dst(%dma_wait3A_308 : memref<64x128xf32, #tpu.memory_space<hbm>>)
    %dma_wait3A_312 = arith.constant 64 : i32
    %dma_wait3A_313 = arith.constant 0 : i32
    %dma_wait3A_314 = tpu.memref_slice %arg6[%dma_wait3A_312, %dma_wait3A_313] : memref<512x128xf32, #tpu.memory_space<vmem>> -> memref<64x128xf32, #tpu.memory_space<vmem>>
    %dma_wait3A_315 = arith.constant 0 : i32
    %dma_wait3A_316 = tpu.memref_slice %arg4[%add3A_135, %dma_wait3A_315] : memref<16384x128xf32, #tpu.memory_space<hbm>> -> memref<64x128xf32, #tpu.memory_space<hbm>>
    %dma_wait3A_317 = arith.constant 0 : i32
    %dma_wait3A_318 = tpu.memref_slice %arg4[%add3A_135, %dma_wait3A_317] : memref<16384x128xf32, #tpu.memory_space<hbm>> -> memref<64x128xf32, #tpu.memory_space<hbm>>
    %dma_wait3A_319 = arith.constant 64 : i32
    %dma_wait3A_320 = arith.constant 0 : i32
    %dma_wait3A_321 = tpu.memref_slice %arg6[%dma_wait3A_319, %dma_wait3A_320] : memref<512x128xf32, #tpu.memory_space<vmem>> -> memref<64x128xf32, #tpu.memory_space<vmem>>
    tpu.wait_dma2 semaphore(%arg15 : memref<!tpu.dma_semaphore, #tpu.memory_space<semaphore_mem>>) src(%dma_wait3A_321 : memref<64x128xf32, #tpu.memory_space<vmem>>) dst(%dma_wait3A_318 : memref<64x128xf32, #tpu.memory_space<hbm>>)
    %dma_wait3A_322 = arith.constant 128 : i32
    %dma_wait3A_323 = arith.constant 0 : i32
    %dma_wait3A_324 = tpu.memref_slice %arg6[%dma_wait3A_322, %dma_wait3A_323] : memref<512x128xf32, #tpu.memory_space<vmem>> -> memref<64x128xf32, #tpu.memory_space<vmem>>
    %dma_wait3A_325 = arith.constant 0 : i32
    %dma_wait3A_326 = tpu.memref_slice %arg4[%add3A_161, %dma_wait3A_325] : memref<16384x128xf32, #tpu.memory_space<hbm>> -> memref<64x128xf32, #tpu.memory_space<hbm>>
    %dma_wait3A_327 = arith.constant 0 : i32
    %dma_wait3A_328 = tpu.memref_slice %arg4[%add3A_161, %dma_wait3A_327] : memref<16384x128xf32, #tpu.memory_space<hbm>> -> memref<64x128xf32, #tpu.memory_space<hbm>>
    %dma_wait3A_329 = arith.constant 128 : i32
    %dma_wait3A_330 = arith.constant 0 : i32
    %dma_wait3A_331 = tpu.memref_slice %arg6[%dma_wait3A_329, %dma_wait3A_330] : memref<512x128xf32, #tpu.memory_space<vmem>> -> memref<64x128xf32, #tpu.memory_space<vmem>>
    tpu.wait_dma2 semaphore(%arg15 : memref<!tpu.dma_semaphore, #tpu.memory_space<semaphore_mem>>) src(%dma_wait3A_331 : memref<64x128xf32, #tpu.memory_space<vmem>>) dst(%dma_wait3A_328 : memref<64x128xf32, #tpu.memory_space<hbm>>)
    %dma_wait3A_332 = arith.constant 192 : i32
    %dma_wait3A_333 = arith.constant 0 : i32
    %dma_wait3A_334 = tpu.memref_slice %arg6[%dma_wait3A_332, %dma_wait3A_333] : memref<512x128xf32, #tpu.memory_space<vmem>> -> memref<64x128xf32, #tpu.memory_space<vmem>>
    %dma_wait3A_335 = arith.constant 0 : i32
    %dma_wait3A_336 = tpu.memref_slice %arg4[%add3A_187, %dma_wait3A_335] : memref<16384x128xf32, #tpu.memory_space<hbm>> -> memref<64x128xf32, #tpu.memory_space<hbm>>
    %dma_wait3A_337 = arith.constant 0 : i32
    %dma_wait3A_338 = tpu.memref_slice %arg4[%add3A_187, %dma_wait3A_337] : memref<16384x128xf32, #tpu.memory_space<hbm>> -> memref<64x128xf32, #tpu.memory_space<hbm>>
    %dma_wait3A_339 = arith.constant 192 : i32
    %dma_wait3A_340 = arith.constant 0 : i32
    %dma_wait3A_341 = tpu.memref_slice %arg6[%dma_wait3A_339, %dma_wait3A_340] : memref<512x128xf32, #tpu.memory_space<vmem>> -> memref<64x128xf32, #tpu.memory_space<vmem>>
    tpu.wait_dma2 semaphore(%arg15 : memref<!tpu.dma_semaphore, #tpu.memory_space<semaphore_mem>>) src(%dma_wait3A_341 : memref<64x128xf32, #tpu.memory_space<vmem>>) dst(%dma_wait3A_338 : memref<64x128xf32, #tpu.memory_space<hbm>>)
    %dma_wait3A_342 = arith.constant 256 : i32
    %dma_wait3A_343 = arith.constant 0 : i32
    %dma_wait3A_344 = tpu.memref_slice %arg6[%dma_wait3A_342, %dma_wait3A_343] : memref<512x128xf32, #tpu.memory_space<vmem>> -> memref<64x128xf32, #tpu.memory_space<vmem>>
    %dma_wait3A_345 = arith.constant 0 : i32
    %dma_wait3A_346 = tpu.memref_slice %arg4[%add3A_213, %dma_wait3A_345] : memref<16384x128xf32, #tpu.memory_space<hbm>> -> memref<64x128xf32, #tpu.memory_space<hbm>>
    %dma_wait3A_347 = arith.constant 0 : i32
    %dma_wait3A_348 = tpu.memref_slice %arg4[%add3A_213, %dma_wait3A_347] : memref<16384x128xf32, #tpu.memory_space<hbm>> -> memref<64x128xf32, #tpu.memory_space<hbm>>
    %dma_wait3A_349 = arith.constant 256 : i32
    %dma_wait3A_350 = arith.constant 0 : i32
    %dma_wait3A_351 = tpu.memref_slice %arg6[%dma_wait3A_349, %dma_wait3A_350] : memref<512x128xf32, #tpu.memory_space<vmem>> -> memref<64x128xf32, #tpu.memory_space<vmem>>
    tpu.wait_dma2 semaphore(%arg15 : memref<!tpu.dma_semaphore, #tpu.memory_space<semaphore_mem>>) src(%dma_wait3A_351 : memref<64x128xf32, #tpu.memory_space<vmem>>) dst(%dma_wait3A_348 : memref<64x128xf32, #tpu.memory_space<hbm>>)
    %dma_wait3A_352 = arith.constant 320 : i32
    %dma_wait3A_353 = arith.constant 0 : i32
    %dma_wait3A_354 = tpu.memref_slice %arg6[%dma_wait3A_352, %dma_wait3A_353] : memref<512x128xf32, #tpu.memory_space<vmem>> -> memref<64x128xf32, #tpu.memory_space<vmem>>
    %dma_wait3A_355 = arith.constant 0 : i32
    %dma_wait3A_356 = tpu.memref_slice %arg4[%add3A_239, %dma_wait3A_355] : memref<16384x128xf32, #tpu.memory_space<hbm>> -> memref<64x128xf32, #tpu.memory_space<hbm>>
    %dma_wait3A_357 = arith.constant 0 : i32
    %dma_wait3A_358 = tpu.memref_slice %arg4[%add3A_239, %dma_wait3A_357] : memref<16384x128xf32, #tpu.memory_space<hbm>> -> memref<64x128xf32, #tpu.memory_space<hbm>>
    %dma_wait3A_359 = arith.constant 320 : i32
    %dma_wait3A_360 = arith.constant 0 : i32
    %dma_wait3A_361 = tpu.memref_slice %arg6[%dma_wait3A_359, %dma_wait3A_360] : memref<512x128xf32, #tpu.memory_space<vmem>> -> memref<64x128xf32, #tpu.memory_space<vmem>>
    tpu.wait_dma2 semaphore(%arg15 : memref<!tpu.dma_semaphore, #tpu.memory_space<semaphore_mem>>) src(%dma_wait3A_361 : memref<64x128xf32, #tpu.memory_space<vmem>>) dst(%dma_wait3A_358 : memref<64x128xf32, #tpu.memory_space<hbm>>)
    %dma_wait3A_362 = arith.constant 384 : i32
    %dma_wait3A_363 = arith.constant 0 : i32
    %dma_wait3A_364 = tpu.memref_slice %arg6[%dma_wait3A_362, %dma_wait3A_363] : memref<512x128xf32, #tpu.memory_space<vmem>> -> memref<64x128xf32, #tpu.memory_space<vmem>>
    %dma_wait3A_365 = arith.constant 0 : i32
    %dma_wait3A_366 = tpu.memref_slice %arg4[%add3A_265, %dma_wait3A_365] : memref<16384x128xf32, #tpu.memory_space<hbm>> -> memref<64x128xf32, #tpu.memory_space<hbm>>
    %dma_wait3A_367 = arith.constant 0 : i32
    %dma_wait3A_368 = tpu.memref_slice %arg4[%add3A_265, %dma_wait3A_367] : memref<16384x128xf32, #tpu.memory_space<hbm>> -> memref<64x128xf32, #tpu.memory_space<hbm>>
    %dma_wait3A_369 = arith.constant 384 : i32
    %dma_wait3A_370 = arith.constant 0 : i32
    %dma_wait3A_371 = tpu.memref_slice %arg6[%dma_wait3A_369, %dma_wait3A_370] : memref<512x128xf32, #tpu.memory_space<vmem>> -> memref<64x128xf32, #tpu.memory_space<vmem>>
    tpu.wait_dma2 semaphore(%arg15 : memref<!tpu.dma_semaphore, #tpu.memory_space<semaphore_mem>>) src(%dma_wait3A_371 : memref<64x128xf32, #tpu.memory_space<vmem>>) dst(%dma_wait3A_368 : memref<64x128xf32, #tpu.memory_space<hbm>>)
    %dma_wait3A_372 = arith.constant 448 : i32
    %dma_wait3A_373 = arith.constant 0 : i32
    %dma_wait3A_374 = tpu.memref_slice %arg6[%dma_wait3A_372, %dma_wait3A_373] : memref<512x128xf32, #tpu.memory_space<vmem>> -> memref<64x128xf32, #tpu.memory_space<vmem>>
    %dma_wait3A_375 = arith.constant 0 : i32
    %dma_wait3A_376 = tpu.memref_slice %arg4[%add3A_291, %dma_wait3A_375] : memref<16384x128xf32, #tpu.memory_space<hbm>> -> memref<64x128xf32, #tpu.memory_space<hbm>>
    %dma_wait3A_377 = arith.constant 0 : i32
    %dma_wait3A_378 = tpu.memref_slice %arg4[%add3A_291, %dma_wait3A_377] : memref<16384x128xf32, #tpu.memory_space<hbm>> -> memref<64x128xf32, #tpu.memory_space<hbm>>
    %dma_wait3A_379 = arith.constant 448 : i32
    %dma_wait3A_380 = arith.constant 0 : i32
    %dma_wait3A_381 = tpu.memref_slice %arg6[%dma_wait3A_379, %dma_wait3A_380] : memref<512x128xf32, #tpu.memory_space<vmem>> -> memref<64x128xf32, #tpu.memory_space<vmem>>
    tpu.wait_dma2 semaphore(%arg15 : memref<!tpu.dma_semaphore, #tpu.memory_space<semaphore_mem>>) src(%dma_wait3A_381 : memref<64x128xf32, #tpu.memory_space<vmem>>) dst(%dma_wait3A_378 : memref<64x128xf32, #tpu.memory_space<hbm>>)
    return
  }
}

</mosaic_0001>

<sc_bundles>
// kernel: kernel.3.cloned.1.call-start
scs
__scs_entry_jumppad:
0x0: {  	(pc) =	sbr.rel $0x88, $3  }
0x1: {  	(tag) =	ssettag $0x0;
	lr =	simm.s32 $0x1  }
0x2: {  	[smem:$0x3F9F] =	sst lr;
	_ =	strace $0xD0000000  }
0x3: {  	_ = 	snop  }
0x4: {  	_ = 	snop  }
0x5: {  	_ = 	snop  }
0x6: {  	_ = 	snop  }
0x7: {  	_ = 	snop  }
__scs_overlays_trampoline_lowered:
0x8: {  	[smem:$0x3FAE] =	sst s0  }
0x9: {  	[smem:$0x3FAF] =	sst s1  }
0xa: {  	[smem:$0x3FB0] =	sst s2  }
0xb: {  	[smem:$0x3FB1] =	sst s3  }
0xc: {  	[smem:$0x3FB2] =	sst s4  }
0xd: {  	[smem:$0x3FB3] =	sst s5  }
0xe: {  	[smem:$0x3FB4] =	sst s6  }
0xf: {  	[smem:$0x3FB5] =	sst s7  }
0x10: {  	[smem:$0x3FB6] =	sst s8  }
0x11: {  	[smem:$0x3FB7] =	sst s9;
	s0 =	simm.s32 @!p0 $0x0  }
0x12: {  	s1 =	sld [smem:$0x3F9D];
	s0 =	simm.s32 @p0 $0x1  }
0x13: {  	[smem:$0x3FB8] =	sst s0;
	s0 =	simm.s32 @!p1 $0x0  }
0x14: {  	s2 =	sld [smem:$0x3F9C];
	s0 =	simm.s32 @p1 $0x1  }
0x15: {  	[smem:$0x3FB9] =	sst s0;
	s0 =	simm.s32 @!p2 $0x0  }
0x16: {  	s3 =	sld [smem:$0x3FDB];
	s0 =	simm.s32 @p2 $0x1  }
0x17: {  	s4 =	simm.s32 $0x1BF5;
	[smem:$0x3FBB] =	sst s0  }
0x18: {  	s0 =	sld [smem:$0x3F9E];
	_ =	swait.ge [sflag:s4], $0x0  }
0x19: {  	s7 =	sld [smem:$0x3F9F]  }
0x1a: {  	s8 =	sadd.s32 $0xFFFFE003, lr  }
0x1b: {  	s9 =	sadd.s32 $0xFFFFFEF7, lr;
	s5 =	simm.s32 $0xFFFFFFFF;
	p2 =	slt.u32 s8, $0xFFFFF086  }
0x1c: {  	p1 =	slt.u32 s9, $0xF7A;
	s5 =	simm.s32 @!p2 $0x0  }
0x1d: {  	s5 =	simm.s32 @p1 $0x1;
	p0 =	seq.s32 s7, s2  }
0x1e: {  	s7 =	smul.u32 @!p0 $0xF7A, s2;
	p2 =	seq.s32 @!p0 s5, $0x0  }
0x1f: {  	s9 =	smul.u32 $0xF7A, s1;
	s8 =	simm.s32 @!p0 $0x1BF5;
	p2 =	por !p2, p0  }
0x20: {  	[sflag:s8] =	ssyncset.s32 @!p0 $0xFFFFF086;
	s6 =	sadd.s32 @!p0 s3, s7;
	s7 =	simm.s32 @!p0 $0x108  }
0x21: {  	s3 =	sadd.s32 s3, s9;
	s6 =	sadd.s32 @!p0 $0x88, s6;
	s7 =	simm.s32 @p2 $0x1082  }
0x22: {  	[simem:s7], [sflag:s8] =	dma.local @!p0 [hbm:s6], $0xF7A  }
0x23: {  	s9 =	sor.u32 $0xD0000000, s2;
	s6 =	simm.s32 $0x108;
	_ =	swait.ge @!p0 [sflag:s8], $0x0  }
0x24: {  	s3 =	sadd.s32 $0x88, s3;
	s6 =	simm.s32 @!p1 $0x1082;
	[sflag:s4] =	ssyncset.s32 $0xFFFFF086  }
0x25: {  	[simem:s6], [sflag:s4] =	dma.local [hbm:s3], $0xF7A  }
0x26: {  	[smem:$0x3F9F] =	sst s1;
	(tag) =	ssettag s2;
	_ =	strace s9  }
0x27: {  	s1 =	sld [smem:$0x3FAF]  }
0x28: {  	s2 =	sld [smem:$0x3FB0]  }
0x29: {  	s4 =	sld [smem:$0x3FB2]  }
0x2a: {  	p0 =	seq.s32 s5, $0x0;
	s5 =	sld [smem:$0x3FB3]  }
0x2b: {  	s6 =	sld [smem:$0x3FB4]  }
0x2c: {  	s7 =	sld [smem:$0x3FB5]  }
0x2d: {  	s3 =	simm.s32 $0x108;
	s8 =	sld [smem:$0x3FB6]  }
0x2e: {  	s3 =	simm.s32 @!p0 $0x1082;
	s9 =	sld [smem:$0x3FB7]  }
0x2f: {  	lr =	sadd.s32 s0, s3;
	s0 =	sld [smem:$0x3FAE]  }
0x30: {  	s3 =	sld [smem:$0x3FB1]  }
0x31: {  	[smem:$0x3FBA] =	sst s10  }
0x32: {  	s10 =	sld [smem:$0x3FB8];
	_ =	sdelay $0x3  }
0x33: {  	p0 =	seq.s32 s10, $0x1;
	s10 =	sld [smem:$0x3FBA];
	_ =	sdelay $0x3  }
0x34: {  	[smem:$0x3FBA] =	sst s10  }
0x35: {  	s10 =	sld [smem:$0x3FB9];
	_ =	sdelay $0x3  }
0x36: {  	p1 =	seq.s32 s10, $0x1;
	s10 =	sld [smem:$0x3FBA];
	_ =	sdelay $0x3  }
0x37: {  	[smem:$0x3FBA] =	sst s10  }
0x38: {  	s10 =	sld [smem:$0x3FBB]  }
0x39: {  	_ = 	snop;
	(pc) =	sbr.ind lr, $3  }
0x3a: {  	_ = 	snop  }
0x3b: {  	_ = 	snop  }
0x3c: {  	p2 =	seq.s32 s10, $0x1;
	s10 =	sld [smem:$0x3FBA]  }
0x3d: {  	_ =	shalt  }
0x3e: {  	_ =	shalt  }
0x3f: {  	_ =	shalt  }
0x40: {  	_ =	shalt  }
0x41: {  	_ =	shalt  }
0x42: {  	_ =	shalt  }
0x43: {  	_ =	shalt  }
0x44: {  	_ =	shalt  }
0x45: {  	_ =	shalt  }
0x46: {  	_ =	shalt  }
0x47: {  	_ =	shalt  }
0x48: {  	_ =	shalt  }
0x49: {  	_ =	shalt  }
0x4a: {  	_ =	shalt  }
0x4b: {  	_ =	shalt  }
0x4c: {  	_ =	shalt  }
0x4d: {  	_ =	shalt  }
0x4e: {  	_ =	shalt  }
0x4f: {  	_ =	shalt  }
0x50: {  	_ =	shalt  }
0x51: {  	_ =	shalt  }
0x52: {  	_ =	shalt  }
0x53: {  	_ =	shalt  }
0x54: {  	_ =	shalt  }
0x55: {  	_ =	shalt  }
0x56: {  	_ =	shalt  }
0x57: {  	_ =	shalt  }
0x58: {  	_ =	shalt  }
0x59: {  	_ =	shalt  }
0x5a: {  	_ =	shalt  }
0x5b: {  	_ =	shalt  }
0x5c: {  	_ =	shalt  }
0x5d: {  	_ =	shalt  }
0x5e: {  	_ =	shalt  }
0x5f: {  	_ =	shalt  }
0x60: {  	_ =	shalt  }
0x61: {  	_ =	shalt  }
0x62: {  	_ =	shalt  }
0x63: {  	_ =	shalt  }
0x64: {  	_ =	shalt  }
0x65: {  	_ =	shalt  }
0x66: {  	_ =	shalt  }
0x67: {  	_ =	shalt  }
0x68: {  	_ =	shalt  }
0x69: {  	_ =	shalt  }
0x6a: {  	_ =	shalt  }
0x6b: {  	_ =	shalt  }
0x6c: {  	_ =	shalt  }
0x6d: {  	_ =	shalt  }
0x6e: {  	_ =	shalt  }
0x6f: {  	_ =	shalt  }
0x70: {  	_ =	shalt  }
0x71: {  	_ =	shalt  }
0x72: {  	_ =	shalt  }
0x73: {  	_ =	shalt  }
0x74: {  	_ =	shalt  }
0x75: {  	_ =	shalt  }
0x76: {  	_ =	shalt  }
0x77: {  	_ =	shalt  }
0x78: {  	_ =	shalt  }
0x79: {  	_ =	shalt  }
0x7a: {  	_ =	shalt  }
0x7b: {  	_ =	shalt  }
0x7c: {  	_ =	shalt  }
0x7d: {  	_ =	shalt  }
0x7e: {  	_ =	shalt  }
0x7f: {  	_ =	shalt  }
0x80: {  	_ =	shalt  }
0x81: {  	_ =	shalt  }
0x82: {  	_ =	shalt  }
0x83: {  	_ =	shalt  }
0x84: {  	_ =	shalt  }
0x85: {  	_ =	shalt  }
0x86: {  	_ =	shalt  }
0x87: {  	_ =	shalt  }
.Lfunc_end0:
.L_simem_size_0:
called_computation_lowered:
.L_overlay_start_0:
0x88: {  	s2 =	sld [smem:$0x3FD9]  }
0x89: {  	s3 =	sld [smem:$0x3FFE];
	_ =	sdelay $0x1  }
0x8a: {  	s1 =	srdreg.scid  }
0x8b: {  	s0 =	sand.u32 $0x1, s1  }
0x8c: {  	s18 =	sshll.u32 s0, $0xA;
	s2 =	sadd.s32 s3, s2  }
0x8d: {  	s2 =	sadd.s32 s2, s18  }
0x8e: {  	[smem:$0x3FC6] =	sst s2  }
0x8f: {  	_ = 	snop  }
0x90: {  	s2 =	sld [smem:$0x3FC9]  }
0x91: {  	s19 =	sld [smem:$0x3FC8]  }
0x92: {  	s4 =	sld [smem:$0x3FD0];
	(tm) =	ssettm $0x1  }
0x93: {  	s5 =	sld [smem:$0x3FFB];
	_ =	sdelay $0x3  }
0x94: {  	_ =	strace s5  }
0x95: {  	s5 =	sld [smem:$0x3FFC];
	_ =	sdelay $0x3  }
0x96: {  	_ =	strace s5  }
0x97: {  	s5 =	sld [smem:$0x3FFD];
	_ =	sdelay $0x3  }
0x98: {  	_ =	strace s5  }
0x99: {  	_ =	strace $0x8FFFFFFF  }
0x9a: {  	s20 =	sld [smem:$0x3FDB];
	_ =	sdelay $0x1  }
0x9b: {  	s6 =	simm.s32 $_scs_section_size  }
0x9c: {  	s7 =	simm.s32 $_size__tile_overlayer_lowered;
	s8 =	simm.s32 $_tile_overlayer_lowered  }
0x9d: {  	s23 =	simm.s32 $0x1BFF;
	s22 =	sshll.u32 s8, $0x1;
	s5 =	sadd.s32 s6, s20  }
0x9e: {  	s9 =	simm.s32 $0x0;
	s21 =	sshll.u32 s7, $0x1;
	s7 =	sadd.s32 s22, s5  }
0x9f: {  	[timem:s9], [sflag:s23] =	dma.local [hbm:s7], s21  }
0xa0: {  	_ =	swait.ge [sflag:s23], s21  }
0xa1: {  	s6 =	ssub.s32 $0x0, s21;
	[sflag:s23] =	ssyncset.done $0x0  }
0xa2: {  	[sflag:s23] =	ssyncadd.s32 s6;
	_ =	sdelay $0x1  }
0xa3: {  	s24 =	simm.s32 $0x1B8B  }
0xa4: {  	_ =	swait.ge [sflag:s24], $0x1  }
0xa5: {  	[sflag:s24] =	ssyncset.done $0x0  }
0xa6: {  	s25 =	simm.s32 $0x1B8E;
	[sflag:s24] =	ssyncadd.s32 $0xFFFFFFFF  }
0xa7: {  	s26 =	simm.s32 $execute0_lowered;
	[smem:$0x3FD2] =	sst s25  }
0xa8: {  	s6 =	sshll.u32 s26, $0x1;
	_ =	strace $0x80000046;
	[dreg:$0x1] =	wrdreg $0xFFFFFFFF  }
0xa9: {  	s28 =	simm.s32 $_size_execute0_lowered;
	s5 =	sadd.s32 s5, s6;
	[dreg:$0x0] =	wrdreg $0x0  }
0xaa: {  	s6 =	sshll.u32 s28, $0x1;
	[dreg:$0x2] =	wrdreg s5  }
0xab: {  	[dreg:$0x3] =	wrdreg s6  }
0xac: {  	[dreg:$0x4] =	wrdreg $0xC0  }
0xad: {  	_ =	task [dreg:s9], $0x5FFFF  }
0xae: {  	[dreg:$0x1] =	wrdreg $0xFFFFFFFF  }
0xaf: {  	[dreg:$0x0] =	wrdreg $0x60  }
0xb0: {  	[dreg:$0x2] =	wrdreg s2  }
0xb1: {  	[dreg:$0x3] =	wrdreg s19  }
0xb2: {  	[dreg:$0x4] =	wrdreg s4  }
0xb3: {  	[dreg:$0x5] =	wrdreg $0x9  }
0xb4: {  	_ =	task.clear_ibuf [dreg:s9], $0x6FFFF;
	_ =	strace $0x90000046  }
0xb5: {  	s29 =	simm.s32 $0x9;
	_ =	strace $0x80000048  }
0xb6: {  	_ =	swait.ge [sflag:s29], $0x1  }
0xb7: {  	[sflag:s29] =	ssyncadd.s32 $0xFFFFFFFF  }
0xb8: {  	_ =	strace $0x90000048  }
0xb9: {  	_ =	sfence  }
0xba: {  	s30 =	sld [smem:$0x0];
	_ =	sdelay $0x2  }
0xbb: {  	s31 =	sshll.u32 s1, $0xD;
	s1 =	sshrl.u32 s1, $0x2  }
0xbc: {  	s3 =	sand.u32 $0x4000, s31;
	s1 =	sadd.s32 s1, s30  }
0xbd: {  	s0 =	sor.u32 s3, s0;
	s1 =	sshll.u32 s1, $0x11  }
0xbe: {  	s0 =	sor.u32 s1, s0  }
0xbf: {  	s0 =	sadd.s32 $0x8F2B, s0  }
0xc0: {  	[sflag:s0] =	ssyncadd.remote.s32 $0x1  }
0xc1: {  	_ =	sfence.sel $0xFFFF  }
0xc2: {  	[dreg:$0x0] =	wrdreg $0xFFFFFFFF;
	(pc) =	sbr.abs _section_cstart, $3  }
0xc3: {  	[dreg:$0x1] =	wrdreg $0xFFFFFFFF  }
0xc4: {  	_ =	task.clear_ibuf [dreg:s9], $0x2FFFF;
	_ =	strace $0x9FFFFFFF  }
0xc5: {  	(tm) =	ssettm $0x7FFFFFFF  }
tec
execute0_lowered:
.L_overlay_start_1:
0x0: {  	(tag) =	ssettag $0x1  }
0x1: {  	s0 =	rddreg [dreg:$0x0]  }
0x2: {  	s1 =	srdreg.scid;
	s2 =	rddreg [dreg:$0x1]  }
0x3: {  	s7 =	stileid.u32;
	s4 =	rddreg [dreg:$0x2]  }
0x4: {  	s3 =	simm.s32 $0x0;
	s15 =	simm.s32 $0x200;
	s16 =	simm.s32 $0xA  }
0x5: {  	s17 =	simm.s32 $0x40;
	s19 =	simm.s32 $0x4200;
	s21 =	simm.s32 $0x6200  }
0x6: {  	s23 =	simm.s32 $0x8200;
	s28 =	simm.s32 $0xC200;
	s30 =	simm.s32 $0xE200  }
0x7: {  	s31 =	simm.s32 $0x1;
	s20 =	simm.s32 $0x4;
	s22 =	simm.s32 $0x5  }
0x8: {  	s29 =	simm.s32 $0x8;
	s14 =	simm.s32 $0x9;
	s1 =	sand.u32 $0x1, s1  }
0x9: {  	s5 =	sshll.u32 s7, $0xA;
	[smem:$0x7FF] =	sst s3;
	s6 =	sshll.u32 s1, $0x9  }
0xa: {  	s7 =	sshll.u32 s7, $0x5;
	s1 =	ssub.s32 $0x2, s1;
	s5 =	sor.u32 s6, s5  }
0xb: {  	_ =	strace $0x80000047;
	s24 =	sshrl.u32 s1, $0x1;
	s6 =	sshll.u32 s5, $0x2  }
0xc: {  	s5 =	sshll.u32 s5, $0x4;
	s1 =	ssub.s32 s1, s24;
	s24 =	simm.s32 $0x6  }
0xd: {  	s6 =	sor.u32 s7, s6;
	s4 =	sadd.s32 s4, s5;
	s13 =	smax.u32 s1, $0x1  }
0xe: {  	s1 =	simm.s32 $0x2;
	s5 =	simm.s32 $0x0;
	s6 =	sand.u32 $0x3980, s6  }
0xf: {  	s25 =	sadd.s32 $0x400, s4;
	s26 =	sadd.s32 $0x800, s4;
	s8 =	sadd.s32 $0xC00, s4  }
0x10: {  	s9 =	sadd.s32 $0x1000, s4;
	s10 =	sadd.s32 $0x1400, s4;
	s11 =	sadd.s32 $0x1800, s4  }
0x11: {  	s12 =	sadd.s32 $0x1C00, s4;
	s6 =	sshrl.u32 s6, $0x3;
	[dreg:$0x5] =	wrdreg s25  }
0x12: {  	[dreg:$0x6] =	wrdreg s26;
	s25 =	simm.s32 $0xA200;
	s0 =	sadd.s32 s0, s6  }
0x13: {  	s26 =	simm.s32 $0x7;
	[dreg:$0x4] =	wrdreg s0;
	s0 =	simm.s32 $0x3  }
.LBB2_1:
0x14: {  	s6 =	rddreg [dreg:$0x4];
	s7 =	simm.s32 $0x80  }
0x15: {  	[tilespmem:s3], [sflag:$0xA] =	stream.strided.gather [hbm4b:s6+s7], $0x200, s15, s7, $0x38;
	[tilespmem:$0x10200] =	vst v63  }
0x16: {  	_ =	swait.ge [sflag:s16], $0x200  }
0x17: {  	[sflag:s16] =	ssyncset.done $0x0  }
0x18: {  	[sflag:s16] =	ssyncadd.s32 $0xFFFFFE00  }
0x19: {  	[tilespmem:s15], [sflag:$0x1] =	stream.indirect.gather [hbm4b:s2+s17], $0x80, s3, s17, $0xb8;
	[tilespmem:$0x10200] =	vst v63  }
0x1a: {  	s18 =	simm.s32 $0x2200  }
0x1b: {  	[tilespmem:s18], [sflag:$0x2] =	stream.indirect.gather [hbm4b:s2+s17], $0x80, s17, s17, $0xb8;
	[tilespmem:$0x10200] =	vst v63  }
0x1c: {  	_ = 	snop  }
0x1d: {  	[tilespmem:s19], [sflag:$0x3] =	stream.indirect.gather [hbm4b:s2+s17], $0x80, s7, s17, $0xb8;
	[tilespmem:$0x10200] =	vst v63  }
0x1e: {  	s18 =	simm.s32 $0xC0  }
0x1f: {  	[tilespmem:s21], [sflag:$0x4] =	stream.indirect.gather [hbm4b:s2+s17], $0x80, s18, s17, $0xb8;
	[tilespmem:$0x10200] =	vst v63  }
0x20: {  	s7 =	simm.s32 $0x100  }
0x21: {  	[tilespmem:s23], [sflag:$0x5] =	stream.indirect.gather [hbm4b:s2+s17], $0x80, s7, s17, $0xb8;
	[tilespmem:$0x10200] =	vst v63  }
0x22: {  	s18 =	simm.s32 $0x140  }
0x23: {  	[tilespmem:s25], [sflag:$0x6] =	stream.indirect.gather [hbm4b:s2+s17], $0x80, s18, s17, $0xb8;
	[tilespmem:$0x10200] =	vst v63  }
0x24: {  	s7 =	simm.s32 $0x180  }
0x25: {  	[tilespmem:s28], [sflag:$0x7] =	stream.indirect.gather [hbm4b:s2+s17], $0x80, s7, s17, $0xb8;
	[tilespmem:$0x10200] =	vst v63  }
0x26: {  	s18 =	simm.s32 $0x1C0  }
0x27: {  	[tilespmem:s30], [sflag:$0x8] =	stream.indirect.gather [hbm4b:s2+s17], $0x80, s18, s17, $0xb8;
	[tilespmem:$0x10200] =	vst v63  }
0x28: {  	_ =	swait.ge [sflag:s31], $0x2000  }
0x29: {  	[sflag:s31] =	ssyncset.done $0x0  }
0x2a: {  	s6 =	simm.s32 $0x0;
	[sflag:s31] =	ssyncadd.s32 $0xFFFFE000  }
0x2b: {  	v3 =	vld [tilespmem:s6+$0x200]  }
0x2c: {  	v5 =	vld [tilespmem:s6+$0x210]  }
0x2d: {  	v4 =	vld [tilespmem:s6+$0x220]  }
0x2e: {  	v2 =	vld [tilespmem:s6+$0x230]  }
0x2f: {  	v0 =	vld [tilespmem:s6+$0x240]  }
0x30: {  	v1 =	vld [tilespmem:s6+$0x250];
	v6 =	vmul.f32 $1.131370830e+01, v3  }
0x31: {  	s7 =	simm.s32 $0x200;
	v5 =	vmul.f32 $1.131370830e+01, v5;
	v3 =	vld [tilespmem:s6+$0x260]  }
.LBB2_2:
0x32: {  	s18 =	sshra.s32 s7, $0x2;
	p0 =	sne.s32 s7, $0x7E00;
	[tilespmem:s6+$0x200] =	vst v6;
	v4 =	vmul.f32 $1.131370830e+01, v4;
	v6 =	vld [tilespmem:s6+$0x270]  }
0x33: {  	v7 =	vld [tilespmem:s18+$0x200];
	[tilespmem:s6+$0x210] =	vst v5;
	v2 =	vmul.f32 $1.131370830e+01, v2  }
0x34: {  	v5 =	vld [tilespmem:s18+$0x210];
	[tilespmem:s6+$0x220] =	vst v4;
	v0 =	vmul.f32 $1.131370830e+01, v0  }
.Ltmp0:
0x35: {  	v4 =	vld [tilespmem:s18+$0x220];
	[tilespmem:s6+$0x230] =	vst v2;
	v1 =	vmul.f32 $1.131370830e+01, v1;
	(pc) =	sbr.rel @p0 .LBB2_2-.Ltmp0, $4  }
0x36: {  	v2 =	vld [tilespmem:s18+$0x230];
	[tilespmem:s6+$0x240] =	vst v0;
	v3 =	vmul.f32 $1.131370830e+01, v3  }
0x37: {  	v0 =	vld [tilespmem:s18+$0x240];
	[tilespmem:s6+$0x250] =	vst v1;
	v8 =	vmul.f32 $1.131370830e+01, v6  }
0x38: {  	v6 =	vmul.f32 $1.131370830e+01, v7;
	v1 =	vld [tilespmem:s18+$0x250];
	[tilespmem:s6+$0x260] =	vst v3  }
0x39: {  	s7 =	sadd.s32 $0x200, s7;
	v5 =	vmul.f32 $1.131370830e+01, v5;
	v3 =	vld [tilespmem:s18+$0x260];
	[tilespmem:s6+$0x270] =	vst v8;
	s6 =	smov.u32 s18  }
0x3a: {  	[tilespmem:s6+$0x200] =	vst v6;
	v4 =	vmul.f32 $1.131370830e+01, v4;
	v6 =	vld [tilespmem:s6+$0x270]  }
0x3b: {  	[tilespmem:s6+$0x210] =	vst v5;
	v2 =	vmul.f32 $1.131370830e+01, v2  }
0x3c: {  	[tilespmem:s6+$0x220] =	vst v4;
	v0 =	vmul.f32 $1.131370830e+01, v0  }
0x3d: {  	[tilespmem:s6+$0x230] =	vst v2;
	v1 =	vmul.f32 $1.131370830e+01, v1  }
0x3e: {  	[tilespmem:s6+$0x240] =	vst v0;
	v0 =	vmul.f32 $1.131370830e+01, v3  }
0x3f: {  	[tilespmem:s6+$0x250] =	vst v1;
	v1 =	vmul.f32 $1.131370830e+01, v6  }
0x40: {  	[tilespmem:s6+$0x260] =	vst v0  }
0x41: {  	s18 =	simm.s32 $0x0;
	[tilespmem:s6+$0x270] =	vst v1  }
0x42: {  	[hbm4b:s4+s18] =	stream.linear.scatter [tilespmem:s15], [sflag:$0x9], $0x2000, $0x38;
	[tilespmem:$0x10200] =	vst v63  }
0x43: {  	_ =	swait.ge [sflag:s1], $0x2000  }
0x44: {  	[sflag:s1] =	ssyncset.done $0x0  }
0x45: {  	s6 =	simm.s32 $0x0;
	[sflag:s1] =	ssyncadd.s32 $0xFFFFE000  }
0x46: {  	v3 =	vld [tilespmem:s6+$0x2200]  }
0x47: {  	v5 =	vld [tilespmem:s6+$0x2210]  }
0x48: {  	v4 =	vld [tilespmem:s6+$0x2220]  }
0x49: {  	v2 =	vld [tilespmem:s6+$0x2230]  }
0x4a: {  	v0 =	vld [tilespmem:s6+$0x2240]  }
0x4b: {  	v1 =	vld [tilespmem:s6+$0x2250];
	v6 =	vmul.f32 $1.131370830e+01, v3  }
0x4c: {  	s7 =	simm.s32 $0x200;
	v5 =	vmul.f32 $1.131370830e+01, v5;
	v3 =	vld [tilespmem:s6+$0x2260]  }
.LBB2_4:
0x4d: {  	s18 =	sshra.s32 s7, $0x2;
	p0 =	sne.s32 s7, $0x7E00;
	[tilespmem:s6+$0x2200] =	vst v6;
	v4 =	vmul.f32 $1.131370830e+01, v4;
	v6 =	vld [tilespmem:s6+$0x2270]  }
0x4e: {  	v7 =	vld [tilespmem:s18+$0x2200];
	[tilespmem:s6+$0x2210] =	vst v5;
	v2 =	vmul.f32 $1.131370830e+01, v2  }
0x4f: {  	v5 =	vld [tilespmem:s18+$0x2210];
	[tilespmem:s6+$0x2220] =	vst v4;
	v0 =	vmul.f32 $1.131370830e+01, v0  }
.Ltmp1:
0x50: {  	v4 =	vld [tilespmem:s18+$0x2220];
	[tilespmem:s6+$0x2230] =	vst v2;
	v1 =	vmul.f32 $1.131370830e+01, v1;
	(pc) =	sbr.rel @p0 .LBB2_4-.Ltmp1, $4  }
0x51: {  	v2 =	vld [tilespmem:s18+$0x2230];
	[tilespmem:s6+$0x2240] =	vst v0;
	v3 =	vmul.f32 $1.131370830e+01, v3  }
0x52: {  	v0 =	vld [tilespmem:s18+$0x2240];
	[tilespmem:s6+$0x2250] =	vst v1;
	v8 =	vmul.f32 $1.131370830e+01, v6  }
0x53: {  	v6 =	vmul.f32 $1.131370830e+01, v7;
	v1 =	vld [tilespmem:s18+$0x2250];
	[tilespmem:s6+$0x2260] =	vst v3  }
0x54: {  	s7 =	sadd.s32 $0x200, s7;
	v5 =	vmul.f32 $1.131370830e+01, v5;
	v3 =	vld [tilespmem:s18+$0x2260];
	[tilespmem:s6+$0x2270] =	vst v8;
	s6 =	smov.u32 s18  }
0x55: {  	[tilespmem:s6+$0x2200] =	vst v6;
	v4 =	vmul.f32 $1.131370830e+01, v4;
	v6 =	vld [tilespmem:s6+$0x2270]  }
0x56: {  	[tilespmem:s6+$0x2210] =	vst v5;
	v2 =	vmul.f32 $1.131370830e+01, v2  }
0x57: {  	[tilespmem:s6+$0x2220] =	vst v4;
	v0 =	vmul.f32 $1.131370830e+01, v0  }
0x58: {  	[tilespmem:s6+$0x2230] =	vst v2;
	v1 =	vmul.f32 $1.131370830e+01, v1  }
0x59: {  	[tilespmem:s6+$0x2240] =	vst v0;
	v0 =	vmul.f32 $1.131370830e+01, v3  }
0x5a: {  	[tilespmem:s6+$0x2250] =	vst v1;
	v1 =	vmul.f32 $1.131370830e+01, v6  }
0x5b: {  	[tilespmem:s6+$0x2260] =	vst v0  }
0x5c: {  	s7 =	rddreg [dreg:$0x5];
	s18 =	simm.s32 $0x2200;
	[tilespmem:s6+$0x2270] =	vst v1;
	s6 =	simm.s32 $0x0  }
0x5d: {  	[hbm4b:s7+s6] =	stream.linear.scatter [tilespmem:s18], [sflag:$0x9], $0x2000, $0x38;
	[tilespmem:$0x10200] =	vst v63  }
0x5e: {  	_ =	swait.ge [sflag:s0], $0x2000  }
0x5f: {  	[sflag:s0] =	ssyncset.done $0x0  }
0x60: {  	s6 =	simm.s32 $0x0;
	[sflag:s0] =	ssyncadd.s32 $0xFFFFE000  }
0x61: {  	v3 =	vld [tilespmem:s6+$0x4200]  }
0x62: {  	v5 =	vld [tilespmem:s6+$0x4210]  }
0x63: {  	v4 =	vld [tilespmem:s6+$0x4220]  }
0x64: {  	v2 =	vld [tilespmem:s6+$0x4230]  }
0x65: {  	v0 =	vld [tilespmem:s6+$0x4240]  }
0x66: {  	v1 =	vld [tilespmem:s6+$0x4250];
	v6 =	vmul.f32 $1.131370830e+01, v3  }
0x67: {  	s7 =	simm.s32 $0x200;
	v5 =	vmul.f32 $1.131370830e+01, v5;
	v3 =	vld [tilespmem:s6+$0x4260]  }
.LBB2_6:
0x68: {  	s18 =	sshra.s32 s7, $0x2;
	p0 =	sne.s32 s7, $0x7E00;
	[tilespmem:s6+$0x4200] =	vst v6;
	v4 =	vmul.f32 $1.131370830e+01, v4;
	v6 =	vld [tilespmem:s6+$0x4270]  }
0x69: {  	v7 =	vld [tilespmem:s18+$0x4200];
	[tilespmem:s6+$0x4210] =	vst v5;
	v2 =	vmul.f32 $1.131370830e+01, v2  }
0x6a: {  	v5 =	vld [tilespmem:s18+$0x4210];
	[tilespmem:s6+$0x4220] =	vst v4;
	v0 =	vmul.f32 $1.131370830e+01, v0  }
.Ltmp2:
0x6b: {  	v4 =	vld [tilespmem:s18+$0x4220];
	[tilespmem:s6+$0x4230] =	vst v2;
	v1 =	vmul.f32 $1.131370830e+01, v1;
	(pc) =	sbr.rel @p0 .LBB2_6-.Ltmp2, $4  }
0x6c: {  	v2 =	vld [tilespmem:s18+$0x4230];
	[tilespmem:s6+$0x4240] =	vst v0;
	v3 =	vmul.f32 $1.131370830e+01, v3  }
0x6d: {  	v0 =	vld [tilespmem:s18+$0x4240];
	[tilespmem:s6+$0x4250] =	vst v1;
	v8 =	vmul.f32 $1.131370830e+01, v6  }
0x6e: {  	v6 =	vmul.f32 $1.131370830e+01, v7;
	v1 =	vld [tilespmem:s18+$0x4250];
	[tilespmem:s6+$0x4260] =	vst v3  }
0x6f: {  	s7 =	sadd.s32 $0x200, s7;
	v5 =	vmul.f32 $1.131370830e+01, v5;
	v3 =	vld [tilespmem:s18+$0x4260];
	[tilespmem:s6+$0x4270] =	vst v8;
	s6 =	smov.u32 s18  }
0x70: {  	[tilespmem:s6+$0x4200] =	vst v6;
	v4 =	vmul.f32 $1.131370830e+01, v4;
	v6 =	vld [tilespmem:s6+$0x4270]  }
0x71: {  	[tilespmem:s6+$0x4210] =	vst v5;
	v2 =	vmul.f32 $1.131370830e+01, v2  }
0x72: {  	[tilespmem:s6+$0x4220] =	vst v4;
	v0 =	vmul.f32 $1.131370830e+01, v0  }
0x73: {  	[tilespmem:s6+$0x4230] =	vst v2;
	v1 =	vmul.f32 $1.131370830e+01, v1  }
0x74: {  	[tilespmem:s6+$0x4240] =	vst v0;
	v0 =	vmul.f32 $1.131370830e+01, v3  }
0x75: {  	[tilespmem:s6+$0x4250] =	vst v1;
	v1 =	vmul.f32 $1.131370830e+01, v6  }
0x76: {  	[tilespmem:s6+$0x4260] =	vst v0  }
0x77: {  	s18 =	simm.s32 $0x0;
	s7 =	rddreg [dreg:$0x6];
	[tilespmem:s6+$0x4270] =	vst v1  }
0x78: {  	[hbm4b:s7+s18] =	stream.linear.scatter [tilespmem:s19], [sflag:$0x9], $0x2000, $0x38;
	[tilespmem:$0x10200] =	vst v63  }
0x79: {  	_ =	swait.ge [sflag:s20], $0x2000  }
0x7a: {  	[sflag:s20] =	ssyncset.done $0x0  }
0x7b: {  	s6 =	simm.s32 $0x0;
	[sflag:s20] =	ssyncadd.s32 $0xFFFFE000  }
0x7c: {  	v3 =	vld [tilespmem:s6+$0x6200]  }
0x7d: {  	v5 =	vld [tilespmem:s6+$0x6210]  }
0x7e: {  	v4 =	vld [tilespmem:s6+$0x6220]  }
0x7f: {  	v2 =	vld [tilespmem:s6+$0x6230]  }
0x80: {  	v0 =	vld [tilespmem:s6+$0x6240]  }
0x81: {  	v1 =	vld [tilespmem:s6+$0x6250];
	v6 =	vmul.f32 $1.131370830e+01, v3  }
0x82: {  	s7 =	simm.s32 $0x200;
	v5 =	vmul.f32 $1.131370830e+01, v5;
	v3 =	vld [tilespmem:s6+$0x6260]  }
.LBB2_8:
0x83: {  	s18 =	sshra.s32 s7, $0x2;
	p0 =	sne.s32 s7, $0x7E00;
	[tilespmem:s6+$0x6200] =	vst v6;
	v4 =	vmul.f32 $1.131370830e+01, v4;
	v6 =	vld [tilespmem:s6+$0x6270]  }
0x84: {  	v7 =	vld [tilespmem:s18+$0x6200];
	[tilespmem:s6+$0x6210] =	vst v5;
	v2 =	vmul.f32 $1.131370830e+01, v2  }
0x85: {  	v5 =	vld [tilespmem:s18+$0x6210];
	[tilespmem:s6+$0x6220] =	vst v4;
	v0 =	vmul.f32 $1.131370830e+01, v0  }
.Ltmp3:
0x86: {  	v4 =	vld [tilespmem:s18+$0x6220];
	[tilespmem:s6+$0x6230] =	vst v2;
	v1 =	vmul.f32 $1.131370830e+01, v1;
	(pc) =	sbr.rel @p0 .LBB2_8-.Ltmp3, $4  }
0x87: {  	v2 =	vld [tilespmem:s18+$0x6230];
	[tilespmem:s6+$0x6240] =	vst v0;
	v3 =	vmul.f32 $1.131370830e+01, v3  }
0x88: {  	v0 =	vld [tilespmem:s18+$0x6240];
	[tilespmem:s6+$0x6250] =	vst v1;
	v8 =	vmul.f32 $1.131370830e+01, v6  }
0x89: {  	v6 =	vmul.f32 $1.131370830e+01, v7;
	v1 =	vld [tilespmem:s18+$0x6250];
	[tilespmem:s6+$0x6260] =	vst v3  }
0x8a: {  	s7 =	sadd.s32 $0x200, s7;
	v5 =	vmul.f32 $1.131370830e+01, v5;
	v3 =	vld [tilespmem:s18+$0x6260];
	[tilespmem:s6+$0x6270] =	vst v8;
	s6 =	smov.u32 s18  }
0x8b: {  	[tilespmem:s6+$0x6200] =	vst v6;
	v4 =	vmul.f32 $1.131370830e+01, v4;
	v6 =	vld [tilespmem:s6+$0x6270]  }
0x8c: {  	[tilespmem:s6+$0x6210] =	vst v5;
	v2 =	vmul.f32 $1.131370830e+01, v2  }
0x8d: {  	[tilespmem:s6+$0x6220] =	vst v4;
	v0 =	vmul.f32 $1.131370830e+01, v0  }
0x8e: {  	[tilespmem:s6+$0x6230] =	vst v2;
	v1 =	vmul.f32 $1.131370830e+01, v1  }
0x8f: {  	[tilespmem:s6+$0x6240] =	vst v0;
	v0 =	vmul.f32 $1.131370830e+01, v3  }
0x90: {  	[tilespmem:s6+$0x6250] =	vst v1;
	v1 =	vmul.f32 $1.131370830e+01, v6  }
0x91: {  	[tilespmem:s6+$0x6260] =	vst v0  }
0x92: {  	s18 =	simm.s32 $0x0;
	[tilespmem:s6+$0x6270] =	vst v1  }
0x93: {  	[hbm4b:s8+s18] =	stream.linear.scatter [tilespmem:s21], [sflag:$0x9], $0x2000, $0x38;
	[tilespmem:$0x10200] =	vst v63  }
0x94: {  	_ =	swait.ge [sflag:s22], $0x2000  }
0x95: {  	[sflag:s22] =	ssyncset.done $0x0  }
0x96: {  	s6 =	simm.s32 $0x0;
	[sflag:s22] =	ssyncadd.s32 $0xFFFFE000  }
0x97: {  	v3 =	vld [tilespmem:s6+$0x8200]  }
0x98: {  	v5 =	vld [tilespmem:s6+$0x8210]  }
0x99: {  	v4 =	vld [tilespmem:s6+$0x8220]  }
0x9a: {  	v2 =	vld [tilespmem:s6+$0x8230]  }
0x9b: {  	v0 =	vld [tilespmem:s6+$0x8240]  }
0x9c: {  	v1 =	vld [tilespmem:s6+$0x8250];
	v6 =	vmul.f32 $1.131370830e+01, v3  }
0x9d: {  	s7 =	simm.s32 $0x200;
	v5 =	vmul.f32 $1.131370830e+01, v5;
	v3 =	vld [tilespmem:s6+$0x8260]  }
.LBB2_10:
0x9e: {  	s18 =	sshra.s32 s7, $0x2;
	p0 =	sne.s32 s7, $0x7E00;
	[tilespmem:s6+$0x8200] =	vst v6;
	v4 =	vmul.f32 $1.131370830e+01, v4;
	v6 =	vld [tilespmem:s6+$0x8270]  }
0x9f: {  	v7 =	vld [tilespmem:s18+$0x8200];
	[tilespmem:s6+$0x8210] =	vst v5;
	v2 =	vmul.f32 $1.131370830e+01, v2  }
0xa0: {  	v5 =	vld [tilespmem:s18+$0x8210];
	[tilespmem:s6+$0x8220] =	vst v4;
	v0 =	vmul.f32 $1.131370830e+01, v0  }
.Ltmp4:
0xa1: {  	v4 =	vld [tilespmem:s18+$0x8220];
	[tilespmem:s6+$0x8230] =	vst v2;
	v1 =	vmul.f32 $1.131370830e+01, v1;
	(pc) =	sbr.rel @p0 .LBB2_10-.Ltmp4, $4  }
0xa2: {  	v2 =	vld [tilespmem:s18+$0x8230];
	[tilespmem:s6+$0x8240] =	vst v0;
	v3 =	vmul.f32 $1.131370830e+01, v3  }
0xa3: {  	v0 =	vld [tilespmem:s18+$0x8240];
	[tilespmem:s6+$0x8250] =	vst v1;
	v8 =	vmul.f32 $1.131370830e+01, v6  }
0xa4: {  	v6 =	vmul.f32 $1.131370830e+01, v7;
	v1 =	vld [tilespmem:s18+$0x8250];
	[tilespmem:s6+$0x8260] =	vst v3  }
0xa5: {  	s7 =	sadd.s32 $0x200, s7;
	v5 =	vmul.f32 $1.131370830e+01, v5;
	v3 =	vld [tilespmem:s18+$0x8260];
	[tilespmem:s6+$0x8270] =	vst v8;
	s6 =	smov.u32 s18  }
0xa6: {  	[tilespmem:s6+$0x8200] =	vst v6;
	v4 =	vmul.f32 $1.131370830e+01, v4;
	v6 =	vld [tilespmem:s6+$0x8270]  }
0xa7: {  	[tilespmem:s6+$0x8210] =	vst v5;
	v2 =	vmul.f32 $1.131370830e+01, v2  }
0xa8: {  	[tilespmem:s6+$0x8220] =	vst v4;
	v0 =	vmul.f32 $1.131370830e+01, v0  }
0xa9: {  	[tilespmem:s6+$0x8230] =	vst v2;
	v1 =	vmul.f32 $1.131370830e+01, v1  }
0xaa: {  	[tilespmem:s6+$0x8240] =	vst v0;
	v0 =	vmul.f32 $1.131370830e+01, v3  }
0xab: {  	[tilespmem:s6+$0x8250] =	vst v1;
	v1 =	vmul.f32 $1.131370830e+01, v6  }
0xac: {  	[tilespmem:s6+$0x8260] =	vst v0  }
0xad: {  	s18 =	simm.s32 $0x0;
	[tilespmem:s6+$0x8270] =	vst v1  }
0xae: {  	[hbm4b:s9+s18] =	stream.linear.scatter [tilespmem:s23], [sflag:$0x9], $0x2000, $0x38;
	[tilespmem:$0x10200] =	vst v63  }
0xaf: {  	_ =	swait.ge [sflag:s24], $0x2000  }
0xb0: {  	[sflag:s24] =	ssyncset.done $0x0  }
0xb1: {  	s6 =	simm.s32 $0x0;
	[sflag:s24] =	ssyncadd.s32 $0xFFFFE000  }
0xb2: {  	v3 =	vld [tilespmem:s6+$0xA200]  }
0xb3: {  	v5 =	vld [tilespmem:s6+$0xA210]  }
0xb4: {  	v4 =	vld [tilespmem:s6+$0xA220]  }
0xb5: {  	v2 =	vld [tilespmem:s6+$0xA230]  }
0xb6: {  	v0 =	vld [tilespmem:s6+$0xA240]  }
0xb7: {  	v1 =	vld [tilespmem:s6+$0xA250];
	v6 =	vmul.f32 $1.131370830e+01, v3  }
0xb8: {  	s7 =	simm.s32 $0x200;
	v5 =	vmul.f32 $1.131370830e+01, v5;
	v3 =	vld [tilespmem:s6+$0xA260]  }
.LBB2_12:
0xb9: {  	s18 =	sshra.s32 s7, $0x2;
	p0 =	sne.s32 s7, $0x7E00;
	[tilespmem:s6+$0xA200] =	vst v6;
	v4 =	vmul.f32 $1.131370830e+01, v4;
	v6 =	vld [tilespmem:s6+$0xA270]  }
0xba: {  	v7 =	vld [tilespmem:s18+$0xA200];
	[tilespmem:s6+$0xA210] =	vst v5;
	v2 =	vmul.f32 $1.131370830e+01, v2  }
0xbb: {  	v5 =	vld [tilespmem:s18+$0xA210];
	[tilespmem:s6+$0xA220] =	vst v4;
	v0 =	vmul.f32 $1.131370830e+01, v0  }
.Ltmp5:
0xbc: {  	v4 =	vld [tilespmem:s18+$0xA220];
	[tilespmem:s6+$0xA230] =	vst v2;
	v1 =	vmul.f32 $1.131370830e+01, v1;
	(pc) =	sbr.rel @p0 .LBB2_12-.Ltmp5, $4  }
0xbd: {  	v2 =	vld [tilespmem:s18+$0xA230];
	[tilespmem:s6+$0xA240] =	vst v0;
	v3 =	vmul.f32 $1.131370830e+01, v3  }
0xbe: {  	v0 =	vld [tilespmem:s18+$0xA240];
	[tilespmem:s6+$0xA250] =	vst v1;
	v8 =	vmul.f32 $1.131370830e+01, v6  }
0xbf: {  	v6 =	vmul.f32 $1.131370830e+01, v7;
	v1 =	vld [tilespmem:s18+$0xA250];
	[tilespmem:s6+$0xA260] =	vst v3  }
0xc0: {  	s7 =	sadd.s32 $0x200, s7;
	v5 =	vmul.f32 $1.131370830e+01, v5;
	v3 =	vld [tilespmem:s18+$0xA260];
	[tilespmem:s6+$0xA270] =	vst v8;
	s6 =	smov.u32 s18  }
0xc1: {  	[tilespmem:s6+$0xA200] =	vst v6;
	v4 =	vmul.f32 $1.131370830e+01, v4;
	v6 =	vld [tilespmem:s6+$0xA270]  }
0xc2: {  	[tilespmem:s6+$0xA210] =	vst v5;
	v2 =	vmul.f32 $1.131370830e+01, v2  }
0xc3: {  	[tilespmem:s6+$0xA220] =	vst v4;
	v0 =	vmul.f32 $1.131370830e+01, v0  }
0xc4: {  	[tilespmem:s6+$0xA230] =	vst v2;
	v1 =	vmul.f32 $1.131370830e+01, v1  }
0xc5: {  	[tilespmem:s6+$0xA240] =	vst v0;
	v0 =	vmul.f32 $1.131370830e+01, v3  }
0xc6: {  	[tilespmem:s6+$0xA250] =	vst v1;
	v1 =	vmul.f32 $1.131370830e+01, v6  }
0xc7: {  	[tilespmem:s6+$0xA260] =	vst v0  }
0xc8: {  	s18 =	simm.s32 $0x0;
	[tilespmem:s6+$0xA270] =	vst v1  }
0xc9: {  	[hbm4b:s10+s18] =	stream.linear.scatter [tilespmem:s25], [sflag:$0x9], $0x2000, $0x38;
	[tilespmem:$0x10200] =	vst v63  }
0xca: {  	_ =	swait.ge [sflag:s26], $0x2000  }
0xcb: {  	[sflag:s26] =	ssyncset.done $0x0  }
0xcc: {  	s6 =	simm.s32 $0x0;
	[sflag:s26] =	ssyncadd.s32 $0xFFFFE000  }
0xcd: {  	v3 =	vld [tilespmem:s6+$0xC200]  }
0xce: {  	v5 =	vld [tilespmem:s6+$0xC210]  }
0xcf: {  	v4 =	vld [tilespmem:s6+$0xC220]  }
0xd0: {  	v2 =	vld [tilespmem:s6+$0xC230]  }
0xd1: {  	v0 =	vld [tilespmem:s6+$0xC240]  }
0xd2: {  	v1 =	vld [tilespmem:s6+$0xC250];
	v6 =	vmul.f32 $1.131370830e+01, v3  }
0xd3: {  	s7 =	simm.s32 $0x200;
	v5 =	vmul.f32 $1.131370830e+01, v5;
	v3 =	vld [tilespmem:s6+$0xC260]  }
.LBB2_14:
0xd4: {  	s18 =	sshra.s32 s7, $0x2;
	p0 =	sne.s32 s7, $0x7E00;
	[tilespmem:s6+$0xC200] =	vst v6;
	v4 =	vmul.f32 $1.131370830e+01, v4;
	v6 =	vld [tilespmem:s6+$0xC270]  }
0xd5: {  	v7 =	vld [tilespmem:s18+$0xC200];
	[tilespmem:s6+$0xC210] =	vst v5;
	v2 =	vmul.f32 $1.131370830e+01, v2  }
0xd6: {  	v5 =	vld [tilespmem:s18+$0xC210];
	[tilespmem:s6+$0xC220] =	vst v4;
	v0 =	vmul.f32 $1.131370830e+01, v0  }
.Ltmp6:
0xd7: {  	v4 =	vld [tilespmem:s18+$0xC220];
	[tilespmem:s6+$0xC230] =	vst v2;
	v1 =	vmul.f32 $1.131370830e+01, v1;
	(pc) =	sbr.rel @p0 .LBB2_14-.Ltmp6, $4  }
0xd8: {  	v2 =	vld [tilespmem:s18+$0xC230];
	[tilespmem:s6+$0xC240] =	vst v0;
	v3 =	vmul.f32 $1.131370830e+01, v3  }
0xd9: {  	v0 =	vld [tilespmem:s18+$0xC240];
	[tilespmem:s6+$0xC250] =	vst v1;
	v8 =	vmul.f32 $1.131370830e+01, v6  }
0xda: {  	v6 =	vmul.f32 $1.131370830e+01, v7;
	v1 =	vld [tilespmem:s18+$0xC250];
	[tilespmem:s6+$0xC260] =	vst v3  }
0xdb: {  	s7 =	sadd.s32 $0x200, s7;
	v5 =	vmul.f32 $1.131370830e+01, v5;
	v3 =	vld [tilespmem:s18+$0xC260];
	[tilespmem:s6+$0xC270] =	vst v8;
	s6 =	smov.u32 s18  }
0xdc: {  	[tilespmem:s6+$0xC200] =	vst v6;
	v4 =	vmul.f32 $1.131370830e+01, v4;
	v6 =	vld [tilespmem:s6+$0xC270]  }
0xdd: {  	[tilespmem:s6+$0xC210] =	vst v5;
	v2 =	vmul.f32 $1.131370830e+01, v2  }
0xde: {  	[tilespmem:s6+$0xC220] =	vst v4;
	v0 =	vmul.f32 $1.131370830e+01, v0  }
0xdf: {  	[tilespmem:s6+$0xC230] =	vst v2;
	v1 =	vmul.f32 $1.131370830e+01, v1  }
0xe0: {  	[tilespmem:s6+$0xC240] =	vst v0;
	v0 =	vmul.f32 $1.131370830e+01, v3  }
0xe1: {  	[tilespmem:s6+$0xC250] =	vst v1;
	v1 =	vmul.f32 $1.131370830e+01, v6  }
0xe2: {  	[tilespmem:s6+$0xC260] =	vst v0  }
0xe3: {  	s18 =	simm.s32 $0x0;
	[tilespmem:s6+$0xC270] =	vst v1  }
0xe4: {  	[hbm4b:s11+s18] =	stream.linear.scatter [tilespmem:s28], [sflag:$0x9], $0x2000, $0x38;
	[tilespmem:$0x10200] =	vst v63  }
0xe5: {  	_ =	swait.ge [sflag:s29], $0x2000  }
0xe6: {  	[sflag:s29] =	ssyncset.done $0x0  }
0xe7: {  	s6 =	simm.s32 $0x0;
	[sflag:s29] =	ssyncadd.s32 $0xFFFFE000  }
0xe8: {  	v3 =	vld [tilespmem:s6+$0xE200]  }
0xe9: {  	v5 =	vld [tilespmem:s6+$0xE210]  }
0xea: {  	v4 =	vld [tilespmem:s6+$0xE220]  }
0xeb: {  	v2 =	vld [tilespmem:s6+$0xE230]  }
0xec: {  	v0 =	vld [tilespmem:s6+$0xE240]  }
0xed: {  	v1 =	vld [tilespmem:s6+$0xE250];
	v6 =	vmul.f32 $1.131370830e+01, v3  }
0xee: {  	s7 =	simm.s32 $0x200;
	v5 =	vmul.f32 $1.131370830e+01, v5;
	v3 =	vld [tilespmem:s6+$0xE260]  }
.LBB2_16:
0xef: {  	s18 =	sshra.s32 s7, $0x2;
	p0 =	sne.s32 s7, $0x7E00;
	[tilespmem:s6+$0xE200] =	vst v6;
	v4 =	vmul.f32 $1.131370830e+01, v4;
	v6 =	vld [tilespmem:s6+$0xE270]  }
0xf0: {  	v7 =	vld [tilespmem:s18+$0xE200];
	[tilespmem:s6+$0xE210] =	vst v5;
	v2 =	vmul.f32 $1.131370830e+01, v2  }
0xf1: {  	v5 =	vld [tilespmem:s18+$0xE210];
	[tilespmem:s6+$0xE220] =	vst v4;
	v0 =	vmul.f32 $1.131370830e+01, v0  }
.Ltmp7:
0xf2: {  	v4 =	vld [tilespmem:s18+$0xE220];
	[tilespmem:s6+$0xE230] =	vst v2;
	v1 =	vmul.f32 $1.131370830e+01, v1;
	(pc) =	sbr.rel @p0 .LBB2_16-.Ltmp7, $4  }
0xf3: {  	v2 =	vld [tilespmem:s18+$0xE230];
	[tilespmem:s6+$0xE240] =	vst v0;
	v3 =	vmul.f32 $1.131370830e+01, v3  }
0xf4: {  	v0 =	vld [tilespmem:s18+$0xE240];
	[tilespmem:s6+$0xE250] =	vst v1;
	v8 =	vmul.f32 $1.131370830e+01, v6  }
0xf5: {  	v6 =	vmul.f32 $1.131370830e+01, v7;
	v1 =	vld [tilespmem:s18+$0xE250];
	[tilespmem:s6+$0xE260] =	vst v3  }
0xf6: {  	s7 =	sadd.s32 $0x200, s7;
	v5 =	vmul.f32 $1.131370830e+01, v5;
	v3 =	vld [tilespmem:s18+$0xE260];
	[tilespmem:s6+$0xE270] =	vst v8;
	s6 =	smov.u32 s18  }
0xf7: {  	[tilespmem:s6+$0xE200] =	vst v6;
	v4 =	vmul.f32 $1.131370830e+01, v4;
	v61 =	vld [tilespmem:s6+$0xE270]  }
0xf8: {  	[tilespmem:s6+$0xE210] =	vst v5;
	v2 =	vmul.f32 $1.131370830e+01, v2  }
0xf9: {  	[tilespmem:s6+$0xE220] =	vst v4;
	v0 =	vmul.f32 $1.131370830e+01, v0  }
0xfa: {  	[tilespmem:s6+$0xE230] =	vst v2;
	v1 =	vmul.f32 $1.131370830e+01, v1  }
0xfb: {  	[tilespmem:s6+$0xE240] =	vst v0;
	v62 =	vmul.f32 $1.131370830e+01, v3  }
0xfc: {  	[tilespmem:s6+$0xE250] =	vst v1;
	v63 =	vmul.f32 $1.131370830e+01, v61  }
0xfd: {  	[tilespmem:s6+$0xE260] =	vst v62  }
0xfe: {  	[tilespmem:s6+$0xE270] =	vst v63  }
0xff: {  	[hbm4b:s12+s3] =	stream.linear.scatter [tilespmem:s30], [sflag:$0x9], $0x2000, $0x38;
	[tilespmem:$0x10200] =	vst v63  }
0x100: {  	_ =	swait.ge [sflag:s14], $0x2000  }
0x101: {  	[sflag:s14] =	ssyncset.done $0x0  }
0x102: {  	[sflag:s14] =	ssyncadd.s32 $0xFFFFE000  }
0x103: {  	_ =	swait.ge [sflag:s14], $0x2000  }
0x104: {  	[sflag:s14] =	ssyncset.done $0x0  }
0x105: {  	[sflag:s14] =	ssyncadd.s32 $0xFFFFE000  }
0x106: {  	_ =	swait.ge [sflag:s14], $0x2000  }
0x107: {  	[sflag:s14] =	ssyncset.done $0x0  }
0x108: {  	[sflag:s14] =	ssyncadd.s32 $0xFFFFE000  }
0x109: {  	_ =	swait.ge [sflag:s14], $0x2000  }
0x10a: {  	[sflag:s14] =	ssyncset.done $0x0  }
0x10b: {  	[sflag:s14] =	ssyncadd.s32 $0xFFFFE000  }
0x10c: {  	_ =	swait.ge [sflag:s14], $0x2000  }
0x10d: {  	[sflag:s14] =	ssyncset.done $0x0  }
0x10e: {  	[sflag:s14] =	ssyncadd.s32 $0xFFFFE000  }
0x10f: {  	_ =	swait.ge [sflag:s14], $0x2000  }
0x110: {  	[sflag:s14] =	ssyncset.done $0x0  }
0x111: {  	s5 =	sadd.s32 $0x1, s5;
	[sflag:s14] =	ssyncadd.s32 $0xFFFFE000  }
0x112: {  	p0 =	sne.s32 s5, s13;
	_ =	swait.ge [sflag:s14], $0x2000  }
.Ltmp8:
0x113: {  	[sflag:s14] =	ssyncset.done $0x0;
	(pc) =	sbr.rel @p0 .LBB2_1-.Ltmp8, $4  }
0x114: {  	[sflag:s14] =	ssyncadd.s32 $0xFFFFE000  }
0x115: {  	_ =	swait.ge [sflag:s14], $0x2000  }
0x116: {  	[sflag:s14] =	ssyncset.done $0x0  }
0x117: {  	[sflag:s14] =	ssyncadd.s32 $0xFFFFE000  }
0x118: {  	_ =	sfence.sel $0x180000  }
0x119: {  	[bflag:$0x0] =	sbarrier.arrive $0xFFFF  }
0x11a: {  	_ =	strace $0x90000047  }
0x11b: {  	s0 =	stileid.u32;
	[bflag:$0x2] =	sbarrier.arrive $0xFFFF  }
0x11c: {  	p0 =	sne.s32 s0, $0x0;
	s0 =	rddreg [dreg:$0x3]  }
0x11d: {  	s0 =	sadd.s32 @!p0 $0x100000, s0  }
0x11e: {  	[sflag:s0] =	ssyncadd.tile.s32 @!p0 $0x1;
	_ =	shalt  }
.Lfunc_end2:
_tile_overlayer_lowered:
.L_overlay_start_2:
0x11f: {  	(tag) =	ssettag $0x2  }
0x120: {  	s0 =	rddreg [dreg:$0x0];
	s2 =	stileid.u32  }
0x121: {  	s1 =	rddreg [dreg:$0x1];
	p0 =	sne.s32 s2, $0x0  }
0x122: {  	s3 =	rddreg [dreg:$0x2];
	[bflag:$0x3] =	sbarrier.arrive $0xFFFF;
	s2 =	simm.s32 @!p0 $0x1C0A  }
0x123: {  	[timem:s3], [sflag:s2] =	dma.local @!p0 [hbm:s0], s1  }
0x124: {  	s0 =	simm.s32 @!p0 $0xA  }
0x125: {  	_ =	swait.ge @!p0 [sflag:s0], s1  }
0x126: {  	s1 =	ssub.s32 @!p0 $0x0, s1;
	[sflag:s0] =	ssyncset.done @!p0 $0x0  }
0x127: {  	[sflag:s0] =	ssyncadd.s32 @!p0 s1  }
0x128: {  	[bflag:$0x3] =	sbarrier.arrive $0xFFFF  }
0x129: {  	_ =	shalt  }

</sc_bundles>
